<compile_context>
chip_gen: v7x
topology: tpu7x:2x2x1
jax: 0.10.2.dev20260603
libtpu: 0.0.44.dev20260713+nightly
codegen_flags: <defaults>
</compile_context>

<pallas_src>
import functools

import jax
import jax.numpy as jnp
from jax import lax
from jax.experimental import pallas as pl
from jax.experimental.pallas import tpu as pltpu
from jax.experimental.pallas import tpu_sc as plsc

B = 16384 * 20
D = 32
NC, NS = 2, 16
NW = NC * NS
B_PER_W = B // NW
CH = 1024
NCHUNK = B_PER_W // CH

_mesh = plsc.VectorSubcoreMesh(core_axis_name="c", subcore_axis_name="s")


@functools.partial(
    pl.kernel,
    mesh=_mesh,
    out_type=jax.ShapeDtypeStruct((B, D), jnp.float32),
    scratch_types=[
        pltpu.VMEM((NCHUNK, CH), jnp.int32),
        pltpu.VMEM((2, CH, D), jnp.float32),
        pltpu.SemaphoreType.DMA,
        pltpu.SemaphoreType.DMA,
        pltpu.SemaphoreType.DMA,
        pltpu.SemaphoreType.DMA,
    ],
    compiler_params=pltpu.CompilerParams(use_tc_tiling_on_sc=False),
)
def _gather_kernel(idx_hbm, table_hbm, out_hbm, idx_v, rows_v,
                   sem_g0, sem_g1, sem_w0, sem_w1):
    wid = lax.axis_index("s") * NC + lax.axis_index("c")
    base = wid * B_PER_W
    sem_g = (sem_g0, sem_g1)
    sem_w = (sem_w0, sem_w1)

    pltpu.sync_copy(idx_hbm.at[wid], idx_v)

    h_g = [None, None]
    h_w = [None, None]
    h_g[0] = pltpu.async_copy(table_hbm.at[idx_v.at[0]], rows_v.at[0], sem_g[0])
    for c in range(NCHUNK):
        b = c % 2
        nb = (c + 1) % 2
        if c + 1 < NCHUNK:
            if h_w[nb] is not None:
                h_w[nb].wait()
                h_w[nb] = None
            h_g[nb] = pltpu.async_copy(
                table_hbm.at[idx_v.at[c + 1]], rows_v.at[nb], sem_g[nb])
        h_g[b].wait()
        h_w[b] = pltpu.async_copy(
            rows_v.at[b], out_hbm.at[pl.ds(base + c * CH, CH)], sem_w[b])
    for b in range(2):
        if h_w[b] is not None:
            h_w[b].wait()


def kernel(index, table):
    idx = index.reshape(-1).astype(jnp.int32).reshape(NW, NCHUNK, CH)
    out = _gather_kernel(idx, table)
    return out.reshape(index.shape[0], index.shape[1], D)

# --- scband reference (transcript-rebuilt; emitter-appended) ---
"""Pipeline reference for scband-w2v-embedding-pre-trained-weights-19825569038547 (READ-ONLY COPY).

The authoritative reference and input builder live on the scoring server;
editing this copy changes nothing except your own understanding.
"""

import jax, jax.numpy as jnp
import numpy as np


def setup_inputs(seed: int = 0) -> dict:
    key = jax.random.key(seed)
    k_idx, k_tab = jax.random.split(key)
    index = jax.random.randint(k_idx, (16384, 20), 0, 1000000, dtype=jnp.int64 if jax.config.jax_enable_x64 else jnp.int32)
    table = jax.random.normal(k_tab, (1000000, 32), dtype=jnp.float32)
    return {"index": index, "table": table}


def reference(index, table):
    # Faithful translation of nn.Embedding.from_pretrained(weight)(index):
    # a pure row-gather from the (frozen) pretrained weight table.
    index_vector = jnp.take(table, index, axis=0)
    return index_vector

if __name__ == "__main__":
    import jax
    _d = setup_inputs()
    print(jax.jit(kernel)(*tuple(_d.values())))

</pallas_src>

<mosaic_0001>
#map = affine_map<(d0, d1) -> (0, 0, 0)>
#map1 = affine_map<(d0, d1) -> (0, 0)>
module attributes {stable_mosaic.version = 14 : i64} {
  func.func @_gather_kernel(%arg0: i32, %arg1: i32, %arg2: memref<32x10x1024xi32, #tpu.memory_space<hbm>>, %arg3: memref<1000000x32xf32, #tpu.memory_space<hbm>>, %arg4: memref<327680x32xf32, #tpu.memory_space<hbm>>, %arg5: memref<10x1024xi32, #tpu.memory_space<vmem>>, %arg6: memref<2x1024x32xf32, #tpu.memory_space<vmem>>, %arg7: memref<!tpu.dma_semaphore, #tpu.memory_space<semaphore_mem>>, %arg8: memref<!tpu.dma_semaphore, #tpu.memory_space<semaphore_mem>>, %arg9: memref<!tpu.dma_semaphore, #tpu.memory_space<semaphore_mem>>, %arg10: memref<!tpu.dma_semaphore, #tpu.memory_space<semaphore_mem>>) attributes {dimension_semantics = [#tpu.dimension_semantics<core_parallel>, #tpu.dimension_semantics<subcore_parallel>], iteration_bounds = array<i64: 2, 16>, scalar_prefetch = 0 : i64, scratch_operands = 6 : i64, tpu.core_type = #tpu.core_type<sc_vector_subcore>, window_params = [{transform_indices = #map}, {transform_indices = #map1}, {transform_indices = #map1}]} {
    %mul3A = arith.constant 2 : i32
    %mul3A_0 = arith.muli %arg1, %mul3A : i32
    %add3A = arith.addi %mul3A_0, %arg0 : i32
    %mul3A_1 = arith.constant 10240 : i32
    %mul3A_2 = arith.muli %add3A, %mul3A_1 : i32
    "tpu.region"() ({
      %run_scoped3A = tpu.sem_alloc : memref<!tpu.dma_semaphore, #tpu.memory_space<semaphore_mem>>
      %dma_start3A_521 = arith.constant 0 : i32
      %dma_start3A_522 = arith.constant 0 : i32
      %dma_start3A_523 = tpu.memref_slice %arg2[%add3A, %dma_start3A_521, %dma_start3A_522] : memref<32x10x1024xi32, #tpu.memory_space<hbm>> -> memref<1x10x1024xi32, #tpu.memory_space<hbm>>
      %dma_start3A_524 = tpu.memref_squeeze %dma_start3A_523 : memref<1x10x1024xi32, #tpu.memory_space<hbm>> -> memref<10x1024xi32, #tpu.memory_space<hbm>>
      %dma_start3A_525 = arith.constant 0 : i32
      %dma_start3A_526 = arith.constant 0 : i32
      %dma_start3A_527 = tpu.memref_slice %arg2[%add3A, %dma_start3A_525, %dma_start3A_526] : memref<32x10x1024xi32, #tpu.memory_space<hbm>> -> memref<1x10x1024xi32, #tpu.memory_space<hbm>>
      %dma_start3A_528 = tpu.memref_squeeze %dma_start3A_527 : memref<1x10x1024xi32, #tpu.memory_space<hbm>> -> memref<10x1024xi32, #tpu.memory_space<hbm>>
      tpu.enqueue_dma source(%dma_start3A_528 : memref<10x1024xi32, #tpu.memory_space<hbm>>) target(%arg5 : memref<10x1024xi32, #tpu.memory_space<vmem>>) target_semaphore(%run_scoped3A : memref<!tpu.dma_semaphore, #tpu.memory_space<semaphore_mem>>)
      %dma_wait3A_529 = arith.constant 0 : i32
      %dma_wait3A_530 = arith.constant 0 : i32
      %dma_wait3A_531 = tpu.memref_slice %arg2[%add3A, %dma_wait3A_529, %dma_wait3A_530] : memref<32x10x1024xi32, #tpu.memory_space<hbm>> -> memref<1x10x1024xi32, #tpu.memory_space<hbm>>
      %dma_wait3A_532 = tpu.memref_squeeze %dma_wait3A_531 : memref<1x10x1024xi32, #tpu.memory_space<hbm>> -> memref<10x1024xi32, #tpu.memory_space<hbm>>
      %dma_wait3A_533 = arith.constant 0 : i32
      %dma_wait3A_534 = arith.constant 0 : i32
      %dma_wait3A_535 = tpu.memref_slice %arg2[%add3A, %dma_wait3A_533, %dma_wait3A_534] : memref<32x10x1024xi32, #tpu.memory_space<hbm>> -> memref<1x10x1024xi32, #tpu.memory_space<hbm>>
      %dma_wait3A_536 = tpu.memref_squeeze %dma_wait3A_535 : memref<1x10x1024xi32, #tpu.memory_space<hbm>> -> memref<10x1024xi32, #tpu.memory_space<hbm>>
      tpu.wait_dma2 semaphore(%run_scoped3A : memref<!tpu.dma_semaphore, #tpu.memory_space<semaphore_mem>>) src(%dma_wait3A_536 : memref<10x1024xi32, #tpu.memory_space<hbm>>) dst(%arg5 : memref<10x1024xi32, #tpu.memory_space<vmem>>)
      tpu.yield
    }) : () -> ()
    %dma_start3A = arith.constant 0 : i32
    %dma_start3A_3 = arith.constant 0 : i32
    %dma_start3A_4 = arith.constant 0 : i32
    %dma_start3A_5 = arith.constant 0 : i32
    %dma_start3A_6 = tpu.memref_slice %arg6[%dma_start3A_3, %dma_start3A_4, %dma_start3A_5] : memref<2x1024x32xf32, #tpu.memory_space<vmem>> -> memref<1x1024x32xf32, #tpu.memory_space<vmem>>
    %dma_start3A_7 = tpu.memref_squeeze %dma_start3A_6 : memref<1x1024x32xf32, #tpu.memory_space<vmem>> -> memref<1024x32xf32, #tpu.memory_space<vmem>>
    %dma_start3A_8 = arith.constant 0 : i32
    %dma_start3A_9 = tpu.memref_slice %arg5[%dma_start3A, %dma_start3A_8] : memref<10x1024xi32, #tpu.memory_space<vmem>> -> memref<1x1024xi32, #tpu.memory_space<vmem>>
    %dma_start3A_10 = tpu.memref_squeeze %dma_start3A_9 : memref<1x1024xi32, #tpu.memory_space<vmem>> -> memref<1024xi32, #tpu.memory_space<vmem>>
    %dma_start3A_11 = arith.constant 0 : i32
    %dma_start3A_12 = arith.constant 0 : i32
    %dma_start3A_13 = tpu.memref_slice %arg3[%dma_start3A_11, %dma_start3A_12] : memref<1000000x32xf32, #tpu.memory_space<hbm>> -> memref<1000000x32xf32, #tpu.memory_space<hbm>>
    tpu.enqueue_indirect_dma source(%dma_start3A_13 : memref<1000000x32xf32, #tpu.memory_space<hbm>>) target(%dma_start3A_7 : memref<1024x32xf32, #tpu.memory_space<vmem>>) offsets(%dma_start3A_10 : memref<1024xi32, #tpu.memory_space<vmem>>) semaphore(%arg7 : memref<!tpu.dma_semaphore, #tpu.memory_space<semaphore_mem>>)
    %dma_start3A_14 = arith.constant 1 : i32
    %dma_start3A_15 = arith.constant 1 : i32
    %dma_start3A_16 = arith.constant 0 : i32
    %dma_start3A_17 = arith.constant 0 : i32
    %dma_start3A_18 = tpu.memref_slice %arg6[%dma_start3A_15, %dma_start3A_16, %dma_start3A_17] : memref<2x1024x32xf32, #tpu.memory_space<vmem>> -> memref<1x1024x32xf32, #tpu.memory_space<vmem>>
    %dma_start3A_19 = tpu.memref_squeeze %dma_start3A_18 : memref<1x1024x32xf32, #tpu.memory_space<vmem>> -> memref<1024x32xf32, #tpu.memory_space<vmem>>
    %dma_start3A_20 = arith.constant 0 : i32
    %dma_start3A_21 = tpu.memref_slice %arg5[%dma_start3A_14, %dma_start3A_20] : memref<10x1024xi32, #tpu.memory_space<vmem>> -> memref<1x1024xi32, #tpu.memory_space<vmem>>
    %dma_start3A_22 = tpu.memref_squeeze %dma_start3A_21 : memref<1x1024xi32, #tpu.memory_space<vmem>> -> memref<1024xi32, #tpu.memory_space<vmem>>
    %dma_start3A_23 = arith.constant 0 : i32
    %dma_start3A_24 = arith.constant 0 : i32
    %dma_start3A_25 = tpu.memref_slice %arg3[%dma_start3A_23, %dma_start3A_24] : memref<1000000x32xf32, #tpu.memory_space<hbm>> -> memref<1000000x32xf32, #tpu.memory_space<hbm>>
    tpu.enqueue_indirect_dma source(%dma_start3A_25 : memref<1000000x32xf32, #tpu.memory_space<hbm>>) target(%dma_start3A_19 : memref<1024x32xf32, #tpu.memory_space<vmem>>) offsets(%dma_start3A_22 : memref<1024xi32, #tpu.memory_space<vmem>>) semaphore(%arg8 : memref<!tpu.dma_semaphore, #tpu.memory_space<semaphore_mem>>)
    %dma_wait3A = arith.constant 0 : i32
    %dma_wait3A_26 = arith.constant 0 : i32
    %dma_wait3A_27 = arith.constant 0 : i32
    %dma_wait3A_28 = arith.constant 0 : i32
    %dma_wait3A_29 = tpu.memref_slice %arg6[%dma_wait3A_26, %dma_wait3A_27, %dma_wait3A_28] : memref<2x1024x32xf32, #tpu.memory_space<vmem>> -> memref<1x1024x32xf32, #tpu.memory_space<vmem>>
    %dma_wait3A_30 = tpu.memref_squeeze %dma_wait3A_29 : memref<1x1024x32xf32, #tpu.memory_space<vmem>> -> memref<1024x32xf32, #tpu.memory_space<vmem>>
    %dma_wait3A_31 = arith.constant 0 : i32
    %dma_wait3A_32 = tpu.memref_slice %arg5[%dma_wait3A, %dma_wait3A_31] : memref<10x1024xi32, #tpu.memory_space<vmem>> -> memref<1x1024xi32, #tpu.memory_space<vmem>>
    %dma_wait3A_33 = tpu.memref_squeeze %dma_wait3A_32 : memref<1x1024xi32, #tpu.memory_space<vmem>> -> memref<1024xi32, #tpu.memory_space<vmem>>
    %dma_wait3A_34 = arith.constant 0 : i32
    %dma_wait3A_35 = arith.constant 0 : i32
    %dma_wait3A_36 = tpu.memref_slice %arg3[%dma_wait3A_34, %dma_wait3A_35] : memref<1000000x32xf32, #tpu.memory_space<hbm>> -> memref<1000000x32xf32, #tpu.memory_space<hbm>>
    tpu.wait_indirect_dma semaphore(%arg7 : memref<!tpu.dma_semaphore, #tpu.memory_space<semaphore_mem>>) src(%dma_wait3A_36 : memref<1000000x32xf32, #tpu.memory_space<hbm>>) dst(%dma_wait3A_30 : memref<1024x32xf32, #tpu.memory_space<vmem>>)
    %add3A_37 = arith.constant 0 : i32
    %add3A_38 = arith.addi %mul3A_2, %add3A_37 : i32
    %dma_start3A_39 = arith.constant 0 : i32
    %dma_start3A_40 = arith.constant 0 : i32
    %dma_start3A_41 = arith.constant 0 : i32
    %dma_start3A_42 = tpu.memref_slice %arg6[%dma_start3A_39, %dma_start3A_40, %dma_start3A_41] : memref<2x1024x32xf32, #tpu.memory_space<vmem>> -> memref<1x1024x32xf32, #tpu.memory_space<vmem>>
    %dma_start3A_43 = tpu.memref_squeeze %dma_start3A_42 : memref<1x1024x32xf32, #tpu.memory_space<vmem>> -> memref<1024x32xf32, #tpu.memory_space<vmem>>
    %dma_start3A_44 = arith.constant 0 : i32
    %dma_start3A_45 = tpu.memref_slice %arg4[%add3A_38, %dma_start3A_44] : memref<327680x32xf32, #tpu.memory_space<hbm>> -> memref<1024x32xf32, #tpu.memory_space<hbm>>
    %dma_start3A_46 = arith.constant 0 : i32
    %dma_start3A_47 = tpu.memref_slice %arg4[%add3A_38, %dma_start3A_46] : memref<327680x32xf32, #tpu.memory_space<hbm>> -> memref<1024x32xf32, #tpu.memory_space<hbm>>
    %dma_start3A_48 = arith.constant 0 : i32
    %dma_start3A_49 = arith.constant 0 : i32
    %dma_start3A_50 = tpu.memref_slice %arg6[%dma_start3A_39, %dma_start3A_48, %dma_start3A_49] : memref<2x1024x32xf32, #tpu.memory_space<vmem>> -> memref<1x1024x32xf32, #tpu.memory_space<vmem>>
    %dma_start3A_51 = tpu.memref_squeeze %dma_start3A_50 : memref<1x1024x32xf32, #tpu.memory_space<vmem>> -> memref<1024x32xf32, #tpu.memory_space<vmem>>
    tpu.enqueue_dma source(%dma_start3A_51 : memref<1024x32xf32, #tpu.memory_space<vmem>>) target(%dma_start3A_47 : memref<1024x32xf32, #tpu.memory_space<hbm>>) target_semaphore(%arg9 : memref<!tpu.dma_semaphore, #tpu.memory_space<semaphore_mem>>)
    %dma_wait3A_52 = arith.constant 0 : i32
    %dma_wait3A_53 = arith.constant 0 : i32
    %dma_wait3A_54 = arith.constant 0 : i32
    %dma_wait3A_55 = tpu.memref_slice %arg6[%dma_wait3A_52, %dma_wait3A_53, %dma_wait3A_54] : memref<2x1024x32xf32, #tpu.memory_space<vmem>> -> memref<1x1024x32xf32, #tpu.memory_space<vmem>>
    %dma_wait3A_56 = tpu.memref_squeeze %dma_wait3A_55 : memref<1x1024x32xf32, #tpu.memory_space<vmem>> -> memref<1024x32xf32, #tpu.memory_space<vmem>>
    %dma_wait3A_57 = arith.constant 0 : i32
    %dma_wait3A_58 = tpu.memref_slice %arg4[%add3A_38, %dma_wait3A_57] : memref<327680x32xf32, #tpu.memory_space<hbm>> -> memref<1024x32xf32, #tpu.memory_space<hbm>>
    %dma_wait3A_59 = arith.constant 0 : i32
    %dma_wait3A_60 = tpu.memref_slice %arg4[%add3A_38, %dma_wait3A_59] : memref<327680x32xf32, #tpu.memory_space<hbm>> -> memref<1024x32xf32, #tpu.memory_space<hbm>>
    %dma_wait3A_61 = arith.constant 0 : i32
    %dma_wait3A_62 = arith.constant 0 : i32
    %dma_wait3A_63 = tpu.memref_slice %arg6[%dma_wait3A_52, %dma_wait3A_61, %dma_wait3A_62] : memref<2x1024x32xf32, #tpu.memory_space<vmem>> -> memref<1x1024x32xf32, #tpu.memory_space<vmem>>
    %dma_wait3A_64 = tpu.memref_squeeze %dma_wait3A_63 : memref<1x1024x32xf32, #tpu.memory_space<vmem>> -> memref<1024x32xf32, #tpu.memory_space<vmem>>
    tpu.wait_dma2 semaphore(%arg9 : memref<!tpu.dma_semaphore, #tpu.memory_space<semaphore_mem>>) src(%dma_wait3A_64 : memref<1024x32xf32, #tpu.memory_space<vmem>>) dst(%dma_wait3A_60 : memref<1024x32xf32, #tpu.memory_space<hbm>>)
    %dma_start3A_65 = arith.constant 2 : i32
    %dma_start3A_66 = arith.constant 0 : i32
    %dma_start3A_67 = arith.constant 0 : i32
    %dma_start3A_68 = arith.constant 0 : i32
    %dma_start3A_69 = tpu.memref_slice %arg6[%dma_start3A_66, %dma_start3A_67, %dma_start3A_68] : memref<2x1024x32xf32, #tpu.memory_space<vmem>> -> memref<1x1024x32xf32, #tpu.memory_space<vmem>>
    %dma_start3A_70 = tpu.memref_squeeze %dma_start3A_69 : memref<1x1024x32xf32, #tpu.memory_space<vmem>> -> memref<1024x32xf32, #tpu.memory_space<vmem>>
    %dma_start3A_71 = arith.constant 0 : i32
    %dma_start3A_72 = tpu.memref_slice %arg5[%dma_start3A_65, %dma_start3A_71] : memref<10x1024xi32, #tpu.memory_space<vmem>> -> memref<1x1024xi32, #tpu.memory_space<vmem>>
    %dma_start3A_73 = tpu.memref_squeeze %dma_start3A_72 : memref<1x1024xi32, #tpu.memory_space<vmem>> -> memref<1024xi32, #tpu.memory_space<vmem>>
    %dma_start3A_74 = arith.constant 0 : i32
    %dma_start3A_75 = arith.constant 0 : i32
    %dma_start3A_76 = tpu.memref_slice %arg3[%dma_start3A_74, %dma_start3A_75] : memref<1000000x32xf32, #tpu.memory_space<hbm>> -> memref<1000000x32xf32, #tpu.memory_space<hbm>>
    tpu.enqueue_indirect_dma source(%dma_start3A_76 : memref<1000000x32xf32, #tpu.memory_space<hbm>>) target(%dma_start3A_70 : memref<1024x32xf32, #tpu.memory_space<vmem>>) offsets(%dma_start3A_73 : memref<1024xi32, #tpu.memory_space<vmem>>) semaphore(%arg7 : memref<!tpu.dma_semaphore, #tpu.memory_space<semaphore_mem>>)
    %dma_wait3A_77 = arith.constant 1 : i32
    %dma_wait3A_78 = arith.constant 1 : i32
    %dma_wait3A_79 = arith.constant 0 : i32
    %dma_wait3A_80 = arith.constant 0 : i32
    %dma_wait3A_81 = tpu.memref_slice %arg6[%dma_wait3A_78, %dma_wait3A_79, %dma_wait3A_80] : memref<2x1024x32xf32, #tpu.memory_space<vmem>> -> memref<1x1024x32xf32, #tpu.memory_space<vmem>>
    %dma_wait3A_82 = tpu.memref_squeeze %dma_wait3A_81 : memref<1x1024x32xf32, #tpu.memory_space<vmem>> -> memref<1024x32xf32, #tpu.memory_space<vmem>>
    %dma_wait3A_83 = arith.constant 0 : i32
    %dma_wait3A_84 = tpu.memref_slice %arg5[%dma_wait3A_77, %dma_wait3A_83] : memref<10x1024xi32, #tpu.memory_space<vmem>> -> memref<1x1024xi32, #tpu.memory_space<vmem>>
    %dma_wait3A_85 = tpu.memref_squeeze %dma_wait3A_84 : memref<1x1024xi32, #tpu.memory_space<vmem>> -> memref<1024xi32, #tpu.memory_space<vmem>>
    %dma_wait3A_86 = arith.constant 0 : i32
    %dma_wait3A_87 = arith.constant 0 : i32
    %dma_wait3A_88 = tpu.memref_slice %arg3[%dma_wait3A_86, %dma_wait3A_87] : memref<1000000x32xf32, #tpu.memory_space<hbm>> -> memref<1000000x32xf32, #tpu.memory_space<hbm>>
    tpu.wait_indirect_dma semaphore(%arg8 : memref<!tpu.dma_semaphore, #tpu.memory_space<semaphore_mem>>) src(%dma_wait3A_88 : memref<1000000x32xf32, #tpu.memory_space<hbm>>) dst(%dma_wait3A_82 : memref<1024x32xf32, #tpu.memory_space<vmem>>)
    %add3A_89 = arith.constant 1024 : i32
    %add3A_90 = arith.addi %mul3A_2, %add3A_89 : i32
    %dma_start3A_91 = arith.constant 1 : i32
    %dma_start3A_92 = arith.constant 0 : i32
    %dma_start3A_93 = arith.constant 0 : i32
    %dma_start3A_94 = tpu.memref_slice %arg6[%dma_start3A_91, %dma_start3A_92, %dma_start3A_93] : memref<2x1024x32xf32, #tpu.memory_space<vmem>> -> memref<1x1024x32xf32, #tpu.memory_space<vmem>>
    %dma_start3A_95 = tpu.memref_squeeze %dma_start3A_94 : memref<1x1024x32xf32, #tpu.memory_space<vmem>> -> memref<1024x32xf32, #tpu.memory_space<vmem>>
    %dma_start3A_96 = arith.constant 0 : i32
    %dma_start3A_97 = tpu.memref_slice %arg4[%add3A_90, %dma_start3A_96] : memref<327680x32xf32, #tpu.memory_space<hbm>> -> memref<1024x32xf32, #tpu.memory_space<hbm>>
    %dma_start3A_98 = arith.constant 0 : i32
    %dma_start3A_99 = tpu.memref_slice %arg4[%add3A_90, %dma_start3A_98] : memref<327680x32xf32, #tpu.memory_space<hbm>> -> memref<1024x32xf32, #tpu.memory_space<hbm>>
    %dma_start3A_100 = arith.constant 0 : i32
    %dma_start3A_101 = arith.constant 0 : i32
    %dma_start3A_102 = tpu.memref_slice %arg6[%dma_start3A_91, %dma_start3A_100, %dma_start3A_101] : memref<2x1024x32xf32, #tpu.memory_space<vmem>> -> memref<1x1024x32xf32, #tpu.memory_space<vmem>>
    %dma_start3A_103 = tpu.memref_squeeze %dma_start3A_102 : memref<1x1024x32xf32, #tpu.memory_space<vmem>> -> memref<1024x32xf32, #tpu.memory_space<vmem>>
    tpu.enqueue_dma source(%dma_start3A_103 : memref<1024x32xf32, #tpu.memory_space<vmem>>) target(%dma_start3A_99 : memref<1024x32xf32, #tpu.memory_space<hbm>>) target_semaphore(%arg10 : memref<!tpu.dma_semaphore, #tpu.memory_space<semaphore_mem>>)
    %dma_wait3A_104 = arith.constant 1 : i32
    %dma_wait3A_105 = arith.constant 0 : i32
    %dma_wait3A_106 = arith.constant 0 : i32
    %dma_wait3A_107 = tpu.memref_slice %arg6[%dma_wait3A_104, %dma_wait3A_105, %dma_wait3A_106] : memref<2x1024x32xf32, #tpu.memory_space<vmem>> -> memref<1x1024x32xf32, #tpu.memory_space<vmem>>
    %dma_wait3A_108 = tpu.memref_squeeze %dma_wait3A_107 : memref<1x1024x32xf32, #tpu.memory_space<vmem>> -> memref<1024x32xf32, #tpu.memory_space<vmem>>
    %dma_wait3A_109 = arith.constant 0 : i32
    %dma_wait3A_110 = tpu.memref_slice %arg4[%add3A_90, %dma_wait3A_109] : memref<327680x32xf32, #tpu.memory_space<hbm>> -> memref<1024x32xf32, #tpu.memory_space<hbm>>
    %dma_wait3A_111 = arith.constant 0 : i32
    %dma_wait3A_112 = tpu.memref_slice %arg4[%add3A_90, %dma_wait3A_111] : memref<327680x32xf32, #tpu.memory_space<hbm>> -> memref<1024x32xf32, #tpu.memory_space<hbm>>
    %dma_wait3A_113 = arith.constant 0 : i32
    %dma_wait3A_114 = arith.constant 0 : i32
    %dma_wait3A_115 = tpu.memref_slice %arg6[%dma_wait3A_104, %dma_wait3A_113, %dma_wait3A_114] : memref<2x1024x32xf32, #tpu.memory_space<vmem>> -> memref<1x1024x32xf32, #tpu.memory_space<vmem>>
    %dma_wait3A_116 = tpu.memref_squeeze %dma_wait3A_115 : memref<1x1024x32xf32, #tpu.memory_space<vmem>> -> memref<1024x32xf32, #tpu.memory_space<vmem>>
    tpu.wait_dma2 semaphore(%arg10 : memref<!tpu.dma_semaphore, #tpu.memory_space<semaphore_mem>>) src(%dma_wait3A_116 : memref<1024x32xf32, #tpu.memory_space<vmem>>) dst(%dma_wait3A_112 : memref<1024x32xf32, #tpu.memory_space<hbm>>)
    %dma_start3A_117 = arith.constant 3 : i32
    %dma_start3A_118 = arith.constant 1 : i32
    %dma_start3A_119 = arith.constant 0 : i32
    %dma_start3A_120 = arith.constant 0 : i32
    %dma_start3A_121 = tpu.memref_slice %arg6[%dma_start3A_118, %dma_start3A_119, %dma_start3A_120] : memref<2x1024x32xf32, #tpu.memory_space<vmem>> -> memref<1x1024x32xf32, #tpu.memory_space<vmem>>
    %dma_start3A_122 = tpu.memref_squeeze %dma_start3A_121 : memref<1x1024x32xf32, #tpu.memory_space<vmem>> -> memref<1024x32xf32, #tpu.memory_space<vmem>>
    %dma_start3A_123 = arith.constant 0 : i32
    %dma_start3A_124 = tpu.memref_slice %arg5[%dma_start3A_117, %dma_start3A_123] : memref<10x1024xi32, #tpu.memory_space<vmem>> -> memref<1x1024xi32, #tpu.memory_space<vmem>>
    %dma_start3A_125 = tpu.memref_squeeze %dma_start3A_124 : memref<1x1024xi32, #tpu.memory_space<vmem>> -> memref<1024xi32, #tpu.memory_space<vmem>>
    %dma_start3A_126 = arith.constant 0 : i32
    %dma_start3A_127 = arith.constant 0 : i32
    %dma_start3A_128 = tpu.memref_slice %arg3[%dma_start3A_126, %dma_start3A_127] : memref<1000000x32xf32, #tpu.memory_space<hbm>> -> memref<1000000x32xf32, #tpu.memory_space<hbm>>
    tpu.enqueue_indirect_dma source(%dma_start3A_128 : memref<1000000x32xf32, #tpu.memory_space<hbm>>) target(%dma_start3A_122 : memref<1024x32xf32, #tpu.memory_space<vmem>>) offsets(%dma_start3A_125 : memref<1024xi32, #tpu.memory_space<vmem>>) semaphore(%arg8 : memref<!tpu.dma_semaphore, #tpu.memory_space<semaphore_mem>>)
    %dma_wait3A_129 = arith.constant 2 : i32
    %dma_wait3A_130 = arith.constant 0 : i32
    %dma_wait3A_131 = arith.constant 0 : i32
    %dma_wait3A_132 = arith.constant 0 : i32
    %dma_wait3A_133 = tpu.memref_slice %arg6[%dma_wait3A_130, %dma_wait3A_131, %dma_wait3A_132] : memref<2x1024x32xf32, #tpu.memory_space<vmem>> -> memref<1x1024x32xf32, #tpu.memory_space<vmem>>
    %dma_wait3A_134 = tpu.memref_squeeze %dma_wait3A_133 : memref<1x1024x32xf32, #tpu.memory_space<vmem>> -> memref<1024x32xf32, #tpu.memory_space<vmem>>
    %dma_wait3A_135 = arith.constant 0 : i32
    %dma_wait3A_136 = tpu.memref_slice %arg5[%dma_wait3A_129, %dma_wait3A_135] : memref<10x1024xi32, #tpu.memory_space<vmem>> -> memref<1x1024xi32, #tpu.memory_space<vmem>>
    %dma_wait3A_137 = tpu.memref_squeeze %dma_wait3A_136 : memref<1x1024xi32, #tpu.memory_space<vmem>> -> memref<1024xi32, #tpu.memory_space<vmem>>
    %dma_wait3A_138 = arith.constant 0 : i32
    %dma_wait3A_139 = arith.constant 0 : i32
    %dma_wait3A_140 = tpu.memref_slice %arg3[%dma_wait3A_138, %dma_wait3A_139] : memref<1000000x32xf32, #tpu.memory_space<hbm>> -> memref<1000000x32xf32, #tpu.memory_space<hbm>>
    tpu.wait_indirect_dma semaphore(%arg7 : memref<!tpu.dma_semaphore, #tpu.memory_space<semaphore_mem>>) src(%dma_wait3A_140 : memref<1000000x32xf32, #tpu.memory_space<hbm>>) dst(%dma_wait3A_134 : memref<1024x32xf32, #tpu.memory_space<vmem>>)
    %add3A_141 = arith.constant 2048 : i32
    %add3A_142 = arith.addi %mul3A_2, %add3A_141 : i32
    %dma_start3A_143 = arith.constant 0 : i32
    %dma_start3A_144 = arith.constant 0 : i32
    %dma_start3A_145 = arith.constant 0 : i32
    %dma_start3A_146 = tpu.memref_slice %arg6[%dma_start3A_143, %dma_start3A_144, %dma_start3A_145] : memref<2x1024x32xf32, #tpu.memory_space<vmem>> -> memref<1x1024x32xf32, #tpu.memory_space<vmem>>
    %dma_start3A_147 = tpu.memref_squeeze %dma_start3A_146 : memref<1x1024x32xf32, #tpu.memory_space<vmem>> -> memref<1024x32xf32, #tpu.memory_space<vmem>>
    %dma_start3A_148 = arith.constant 0 : i32
    %dma_start3A_149 = tpu.memref_slice %arg4[%add3A_142, %dma_start3A_148] : memref<327680x32xf32, #tpu.memory_space<hbm>> -> memref<1024x32xf32, #tpu.memory_space<hbm>>
    %dma_start3A_150 = arith.constant 0 : i32
    %dma_start3A_151 = tpu.memref_slice %arg4[%add3A_142, %dma_start3A_150] : memref<327680x32xf32, #tpu.memory_space<hbm>> -> memref<1024x32xf32, #tpu.memory_space<hbm>>
    %dma_start3A_152 = arith.constant 0 : i32
    %dma_start3A_153 = arith.constant 0 : i32
    %dma_start3A_154 = tpu.memref_slice %arg6[%dma_start3A_143, %dma_start3A_152, %dma_start3A_153] : memref<2x1024x32xf32, #tpu.memory_space<vmem>> -> memref<1x1024x32xf32, #tpu.memory_space<vmem>>
    %dma_start3A_155 = tpu.memref_squeeze %dma_start3A_154 : memref<1x1024x32xf32, #tpu.memory_space<vmem>> -> memref<1024x32xf32, #tpu.memory_space<vmem>>
    tpu.enqueue_dma source(%dma_start3A_155 : memref<1024x32xf32, #tpu.memory_space<vmem>>) target(%dma_start3A_151 : memref<1024x32xf32, #tpu.memory_space<hbm>>) target_semaphore(%arg9 : memref<!tpu.dma_semaphore, #tpu.memory_space<semaphore_mem>>)
    %dma_wait3A_156 = arith.constant 0 : i32
    %dma_wait3A_157 = arith.constant 0 : i32
    %dma_wait3A_158 = arith.constant 0 : i32
    %dma_wait3A_159 = tpu.memref_slice %arg6[%dma_wait3A_156, %dma_wait3A_157, %dma_wait3A_158] : memref<2x1024x32xf32, #tpu.memory_space<vmem>> -> memref<1x1024x32xf32, #tpu.memory_space<vmem>>
    %dma_wait3A_160 = tpu.memref_squeeze %dma_wait3A_159 : memref<1x1024x32xf32, #tpu.memory_space<vmem>> -> memref<1024x32xf32, #tpu.memory_space<vmem>>
    %dma_wait3A_161 = arith.constant 0 : i32
    %dma_wait3A_162 = tpu.memref_slice %arg4[%add3A_142, %dma_wait3A_161] : memref<327680x32xf32, #tpu.memory_space<hbm>> -> memref<1024x32xf32, #tpu.memory_space<hbm>>
    %dma_wait3A_163 = arith.constant 0 : i32
    %dma_wait3A_164 = tpu.memref_slice %arg4[%add3A_142, %dma_wait3A_163] : memref<327680x32xf32, #tpu.memory_space<hbm>> -> memref<1024x32xf32, #tpu.memory_space<hbm>>
    %dma_wait3A_165 = arith.constant 0 : i32
    %dma_wait3A_166 = arith.constant 0 : i32
    %dma_wait3A_167 = tpu.memref_slice %arg6[%dma_wait3A_156, %dma_wait3A_165, %dma_wait3A_166] : memref<2x1024x32xf32, #tpu.memory_space<vmem>> -> memref<1x1024x32xf32, #tpu.memory_space<vmem>>
    %dma_wait3A_168 = tpu.memref_squeeze %dma_wait3A_167 : memref<1x1024x32xf32, #tpu.memory_space<vmem>> -> memref<1024x32xf32, #tpu.memory_space<vmem>>
    tpu.wait_dma2 semaphore(%arg9 : memref<!tpu.dma_semaphore, #tpu.memory_space<semaphore_mem>>) src(%dma_wait3A_168 : memref<1024x32xf32, #tpu.memory_space<vmem>>) dst(%dma_wait3A_164 : memref<1024x32xf32, #tpu.memory_space<hbm>>)
    %dma_start3A_169 = arith.constant 4 : i32
    %dma_start3A_170 = arith.constant 0 : i32
    %dma_start3A_171 = arith.constant 0 : i32
    %dma_start3A_172 = arith.constant 0 : i32
    %dma_start3A_173 = tpu.memref_slice %arg6[%dma_start3A_170, %dma_start3A_171, %dma_start3A_172] : memref<2x1024x32xf32, #tpu.memory_space<vmem>> -> memref<1x1024x32xf32, #tpu.memory_space<vmem>>
    %dma_start3A_174 = tpu.memref_squeeze %dma_start3A_173 : memref<1x1024x32xf32, #tpu.memory_space<vmem>> -> memref<1024x32xf32, #tpu.memory_space<vmem>>
    %dma_start3A_175 = arith.constant 0 : i32
    %dma_start3A_176 = tpu.memref_slice %arg5[%dma_start3A_169, %dma_start3A_175] : memref<10x1024xi32, #tpu.memory_space<vmem>> -> memref<1x1024xi32, #tpu.memory_space<vmem>>
    %dma_start3A_177 = tpu.memref_squeeze %dma_start3A_176 : memref<1x1024xi32, #tpu.memory_space<vmem>> -> memref<1024xi32, #tpu.memory_space<vmem>>
    %dma_start3A_178 = arith.constant 0 : i32
    %dma_start3A_179 = arith.constant 0 : i32
    %dma_start3A_180 = tpu.memref_slice %arg3[%dma_start3A_178, %dma_start3A_179] : memref<1000000x32xf32, #tpu.memory_space<hbm>> -> memref<1000000x32xf32, #tpu.memory_space<hbm>>
    tpu.enqueue_indirect_dma source(%dma_start3A_180 : memref<1000000x32xf32, #tpu.memory_space<hbm>>) target(%dma_start3A_174 : memref<1024x32xf32, #tpu.memory_space<vmem>>) offsets(%dma_start3A_177 : memref<1024xi32, #tpu.memory_space<vmem>>) semaphore(%arg7 : memref<!tpu.dma_semaphore, #tpu.memory_space<semaphore_mem>>)
    %dma_wait3A_181 = arith.constant 3 : i32
    %dma_wait3A_182 = arith.constant 1 : i32
    %dma_wait3A_183 = arith.constant 0 : i32
    %dma_wait3A_184 = arith.constant 0 : i32
    %dma_wait3A_185 = tpu.memref_slice %arg6[%dma_wait3A_182, %dma_wait3A_183, %dma_wait3A_184] : memref<2x1024x32xf32, #tpu.memory_space<vmem>> -> memref<1x1024x32xf32, #tpu.memory_space<vmem>>
    %dma_wait3A_186 = tpu.memref_squeeze %dma_wait3A_185 : memref<1x1024x32xf32, #tpu.memory_space<vmem>> -> memref<1024x32xf32, #tpu.memory_space<vmem>>
    %dma_wait3A_187 = arith.constant 0 : i32
    %dma_wait3A_188 = tpu.memref_slice %arg5[%dma_wait3A_181, %dma_wait3A_187] : memref<10x1024xi32, #tpu.memory_space<vmem>> -> memref<1x1024xi32, #tpu.memory_space<vmem>>
    %dma_wait3A_189 = tpu.memref_squeeze %dma_wait3A_188 : memref<1x1024xi32, #tpu.memory_space<vmem>> -> memref<1024xi32, #tpu.memory_space<vmem>>
    %dma_wait3A_190 = arith.constant 0 : i32
    %dma_wait3A_191 = arith.constant 0 : i32
    %dma_wait3A_192 = tpu.memref_slice %arg3[%dma_wait3A_190, %dma_wait3A_191] : memref<1000000x32xf32, #tpu.memory_space<hbm>> -> memref<1000000x32xf32, #tpu.memory_space<hbm>>
    tpu.wait_indirect_dma semaphore(%arg8 : memref<!tpu.dma_semaphore, #tpu.memory_space<semaphore_mem>>) src(%dma_wait3A_192 : memref<1000000x32xf32, #tpu.memory_space<hbm>>) dst(%dma_wait3A_186 : memref<1024x32xf32, #tpu.memory_space<vmem>>)
    %add3A_193 = arith.constant 3072 : i32
    %add3A_194 = arith.addi %mul3A_2, %add3A_193 : i32
    %dma_start3A_195 = arith.constant 1 : i32
    %dma_start3A_196 = arith.constant 0 : i32
    %dma_start3A_197 = arith.constant 0 : i32
    %dma_start3A_198 = tpu.memref_slice %arg6[%dma_start3A_195, %dma_start3A_196, %dma_start3A_197] : memref<2x1024x32xf32, #tpu.memory_space<vmem>> -> memref<1x1024x32xf32, #tpu.memory_space<vmem>>
    %dma_start3A_199 = tpu.memref_squeeze %dma_start3A_198 : memref<1x1024x32xf32, #tpu.memory_space<vmem>> -> memref<1024x32xf32, #tpu.memory_space<vmem>>
    %dma_start3A_200 = arith.constant 0 : i32
    %dma_start3A_201 = tpu.memref_slice %arg4[%add3A_194, %dma_start3A_200] : memref<327680x32xf32, #tpu.memory_space<hbm>> -> memref<1024x32xf32, #tpu.memory_space<hbm>>
    %dma_start3A_202 = arith.constant 0 : i32
    %dma_start3A_203 = tpu.memref_slice %arg4[%add3A_194, %dma_start3A_202] : memref<327680x32xf32, #tpu.memory_space<hbm>> -> memref<1024x32xf32, #tpu.memory_space<hbm>>
    %dma_start3A_204 = arith.constant 0 : i32
    %dma_start3A_205 = arith.constant 0 : i32
    %dma_start3A_206 = tpu.memref_slice %arg6[%dma_start3A_195, %dma_start3A_204, %dma_start3A_205] : memref<2x1024x32xf32, #tpu.memory_space<vmem>> -> memref<1x1024x32xf32, #tpu.memory_space<vmem>>
    %dma_start3A_207 = tpu.memref_squeeze %dma_start3A_206 : memref<1x1024x32xf32, #tpu.memory_space<vmem>> -> memref<1024x32xf32, #tpu.memory_space<vmem>>
    tpu.enqueue_dma source(%dma_start3A_207 : memref<1024x32xf32, #tpu.memory_space<vmem>>) target(%dma_start3A_203 : memref<1024x32xf32, #tpu.memory_space<hbm>>) target_semaphore(%arg10 : memref<!tpu.dma_semaphore, #tpu.memory_space<semaphore_mem>>)
    %dma_wait3A_208 = arith.constant 1 : i32
    %dma_wait3A_209 = arith.constant 0 : i32
    %dma_wait3A_210 = arith.constant 0 : i32
    %dma_wait3A_211 = tpu.memref_slice %arg6[%dma_wait3A_208, %dma_wait3A_209, %dma_wait3A_210] : memref<2x1024x32xf32, #tpu.memory_space<vmem>> -> memref<1x1024x32xf32, #tpu.memory_space<vmem>>
    %dma_wait3A_212 = tpu.memref_squeeze %dma_wait3A_211 : memref<1x1024x32xf32, #tpu.memory_space<vmem>> -> memref<1024x32xf32, #tpu.memory_space<vmem>>
    %dma_wait3A_213 = arith.constant 0 : i32
    %dma_wait3A_214 = tpu.memref_slice %arg4[%add3A_194, %dma_wait3A_213] : memref<327680x32xf32, #tpu.memory_space<hbm>> -> memref<1024x32xf32, #tpu.memory_space<hbm>>
    %dma_wait3A_215 = arith.constant 0 : i32
    %dma_wait3A_216 = tpu.memref_slice %arg4[%add3A_194, %dma_wait3A_215] : memref<327680x32xf32, #tpu.memory_space<hbm>> -> memref<1024x32xf32, #tpu.memory_space<hbm>>
    %dma_wait3A_217 = arith.constant 0 : i32
    %dma_wait3A_218 = arith.constant 0 : i32
    %dma_wait3A_219 = tpu.memref_slice %arg6[%dma_wait3A_208, %dma_wait3A_217, %dma_wait3A_218] : memref<2x1024x32xf32, #tpu.memory_space<vmem>> -> memref<1x1024x32xf32, #tpu.memory_space<vmem>>
    %dma_wait3A_220 = tpu.memref_squeeze %dma_wait3A_219 : memref<1x1024x32xf32, #tpu.memory_space<vmem>> -> memref<1024x32xf32, #tpu.memory_space<vmem>>
    tpu.wait_dma2 semaphore(%arg10 : memref<!tpu.dma_semaphore, #tpu.memory_space<semaphore_mem>>) src(%dma_wait3A_220 : memref<1024x32xf32, #tpu.memory_space<vmem>>) dst(%dma_wait3A_216 : memref<1024x32xf32, #tpu.memory_space<hbm>>)
    %dma_start3A_221 = arith.constant 5 : i32
    %dma_start3A_222 = arith.constant 1 : i32
    %dma_start3A_223 = arith.constant 0 : i32
    %dma_start3A_224 = arith.constant 0 : i32
    %dma_start3A_225 = tpu.memref_slice %arg6[%dma_start3A_222, %dma_start3A_223, %dma_start3A_224] : memref<2x1024x32xf32, #tpu.memory_space<vmem>> -> memref<1x1024x32xf32, #tpu.memory_space<vmem>>
    %dma_start3A_226 = tpu.memref_squeeze %dma_start3A_225 : memref<1x1024x32xf32, #tpu.memory_space<vmem>> -> memref<1024x32xf32, #tpu.memory_space<vmem>>
    %dma_start3A_227 = arith.constant 0 : i32
    %dma_start3A_228 = tpu.memref_slice %arg5[%dma_start3A_221, %dma_start3A_227] : memref<10x1024xi32, #tpu.memory_space<vmem>> -> memref<1x1024xi32, #tpu.memory_space<vmem>>
    %dma_start3A_229 = tpu.memref_squeeze %dma_start3A_228 : memref<1x1024xi32, #tpu.memory_space<vmem>> -> memref<1024xi32, #tpu.memory_space<vmem>>
    %dma_start3A_230 = arith.constant 0 : i32
    %dma_start3A_231 = arith.constant 0 : i32
    %dma_start3A_232 = tpu.memref_slice %arg3[%dma_start3A_230, %dma_start3A_231] : memref<1000000x32xf32, #tpu.memory_space<hbm>> -> memref<1000000x32xf32, #tpu.memory_space<hbm>>
    tpu.enqueue_indirect_dma source(%dma_start3A_232 : memref<1000000x32xf32, #tpu.memory_space<hbm>>) target(%dma_start3A_226 : memref<1024x32xf32, #tpu.memory_space<vmem>>) offsets(%dma_start3A_229 : memref<1024xi32, #tpu.memory_space<vmem>>) semaphore(%arg8 : memref<!tpu.dma_semaphore, #tpu.memory_space<semaphore_mem>>)
    %dma_wait3A_233 = arith.constant 4 : i32
    %dma_wait3A_234 = arith.constant 0 : i32
    %dma_wait3A_235 = arith.constant 0 : i32
    %dma_wait3A_236 = arith.constant 0 : i32
    %dma_wait3A_237 = tpu.memref_slice %arg6[%dma_wait3A_234, %dma_wait3A_235, %dma_wait3A_236] : memref<2x1024x32xf32, #tpu.memory_space<vmem>> -> memref<1x1024x32xf32, #tpu.memory_space<vmem>>
    %dma_wait3A_238 = tpu.memref_squeeze %dma_wait3A_237 : memref<1x1024x32xf32, #tpu.memory_space<vmem>> -> memref<1024x32xf32, #tpu.memory_space<vmem>>
    %dma_wait3A_239 = arith.constant 0 : i32
    %dma_wait3A_240 = tpu.memref_slice %arg5[%dma_wait3A_233, %dma_wait3A_239] : memref<10x1024xi32, #tpu.memory_space<vmem>> -> memref<1x1024xi32, #tpu.memory_space<vmem>>
    %dma_wait3A_241 = tpu.memref_squeeze %dma_wait3A_240 : memref<1x1024xi32, #tpu.memory_space<vmem>> -> memref<1024xi32, #tpu.memory_space<vmem>>
    %dma_wait3A_242 = arith.constant 0 : i32
    %dma_wait3A_243 = arith.constant 0 : i32
    %dma_wait3A_244 = tpu.memref_slice %arg3[%dma_wait3A_242, %dma_wait3A_243] : memref<1000000x32xf32, #tpu.memory_space<hbm>> -> memref<1000000x32xf32, #tpu.memory_space<hbm>>
    tpu.wait_indirect_dma semaphore(%arg7 : memref<!tpu.dma_semaphore, #tpu.memory_space<semaphore_mem>>) src(%dma_wait3A_244 : memref<1000000x32xf32, #tpu.memory_space<hbm>>) dst(%dma_wait3A_238 : memref<1024x32xf32, #tpu.memory_space<vmem>>)
    %add3A_245 = arith.constant 4096 : i32
    %add3A_246 = arith.addi %mul3A_2, %add3A_245 : i32
    %dma_start3A_247 = arith.constant 0 : i32
    %dma_start3A_248 = arith.constant 0 : i32
    %dma_start3A_249 = arith.constant 0 : i32
    %dma_start3A_250 = tpu.memref_slice %arg6[%dma_start3A_247, %dma_start3A_248, %dma_start3A_249] : memref<2x1024x32xf32, #tpu.memory_space<vmem>> -> memref<1x1024x32xf32, #tpu.memory_space<vmem>>
    %dma_start3A_251 = tpu.memref_squeeze %dma_start3A_250 : memref<1x1024x32xf32, #tpu.memory_space<vmem>> -> memref<1024x32xf32, #tpu.memory_space<vmem>>
    %dma_start3A_252 = arith.constant 0 : i32
    %dma_start3A_253 = tpu.memref_slice %arg4[%add3A_246, %dma_start3A_252] : memref<327680x32xf32, #tpu.memory_space<hbm>> -> memref<1024x32xf32, #tpu.memory_space<hbm>>
    %dma_start3A_254 = arith.constant 0 : i32
    %dma_start3A_255 = tpu.memref_slice %arg4[%add3A_246, %dma_start3A_254] : memref<327680x32xf32, #tpu.memory_space<hbm>> -> memref<1024x32xf32, #tpu.memory_space<hbm>>
    %dma_start3A_256 = arith.constant 0 : i32
    %dma_start3A_257 = arith.constant 0 : i32
    %dma_start3A_258 = tpu.memref_slice %arg6[%dma_start3A_247, %dma_start3A_256, %dma_start3A_257] : memref<2x1024x32xf32, #tpu.memory_space<vmem>> -> memref<1x1024x32xf32, #tpu.memory_space<vmem>>
    %dma_start3A_259 = tpu.memref_squeeze %dma_start3A_258 : memref<1x1024x32xf32, #tpu.memory_space<vmem>> -> memref<1024x32xf32, #tpu.memory_space<vmem>>
    tpu.enqueue_dma source(%dma_start3A_259 : memref<1024x32xf32, #tpu.memory_space<vmem>>) target(%dma_start3A_255 : memref<1024x32xf32, #tpu.memory_space<hbm>>) target_semaphore(%arg9 : memref<!tpu.dma_semaphore, #tpu.memory_space<semaphore_mem>>)
    %dma_wait3A_260 = arith.constant 0 : i32
    %dma_wait3A_261 = arith.constant 0 : i32
    %dma_wait3A_262 = arith.constant 0 : i32
    %dma_wait3A_263 = tpu.memref_slice %arg6[%dma_wait3A_260, %dma_wait3A_261, %dma_wait3A_262] : memref<2x1024x32xf32, #tpu.memory_space<vmem>> -> memref<1x1024x32xf32, #tpu.memory_space<vmem>>
    %dma_wait3A_264 = tpu.memref_squeeze %dma_wait3A_263 : memref<1x1024x32xf32, #tpu.memory_space<vmem>> -> memref<1024x32xf32, #tpu.memory_space<vmem>>
    %dma_wait3A_265 = arith.constant 0 : i32
    %dma_wait3A_266 = tpu.memref_slice %arg4[%add3A_246, %dma_wait3A_265] : memref<327680x32xf32, #tpu.memory_space<hbm>> -> memref<1024x32xf32, #tpu.memory_space<hbm>>
    %dma_wait3A_267 = arith.constant 0 : i32
    %dma_wait3A_268 = tpu.memref_slice %arg4[%add3A_246, %dma_wait3A_267] : memref<327680x32xf32, #tpu.memory_space<hbm>> -> memref<1024x32xf32, #tpu.memory_space<hbm>>
    %dma_wait3A_269 = arith.constant 0 : i32
    %dma_wait3A_270 = arith.constant 0 : i32
    %dma_wait3A_271 = tpu.memref_slice %arg6[%dma_wait3A_260, %dma_wait3A_269, %dma_wait3A_270] : memref<2x1024x32xf32, #tpu.memory_space<vmem>> -> memref<1x1024x32xf32, #tpu.memory_space<vmem>>
    %dma_wait3A_272 = tpu.memref_squeeze %dma_wait3A_271 : memref<1x1024x32xf32, #tpu.memory_space<vmem>> -> memref<1024x32xf32, #tpu.memory_space<vmem>>
    tpu.wait_dma2 semaphore(%arg9 : memref<!tpu.dma_semaphore, #tpu.memory_space<semaphore_mem>>) src(%dma_wait3A_272 : memref<1024x32xf32, #tpu.memory_space<vmem>>) dst(%dma_wait3A_268 : memref<1024x32xf32, #tpu.memory_space<hbm>>)
    %dma_start3A_273 = arith.constant 6 : i32
    %dma_start3A_274 = arith.constant 0 : i32
    %dma_start3A_275 = arith.constant 0 : i32
    %dma_start3A_276 = arith.constant 0 : i32
    %dma_start3A_277 = tpu.memref_slice %arg6[%dma_start3A_274, %dma_start3A_275, %dma_start3A_276] : memref<2x1024x32xf32, #tpu.memory_space<vmem>> -> memref<1x1024x32xf32, #tpu.memory_space<vmem>>
    %dma_start3A_278 = tpu.memref_squeeze %dma_start3A_277 : memref<1x1024x32xf32, #tpu.memory_space<vmem>> -> memref<1024x32xf32, #tpu.memory_space<vmem>>
    %dma_start3A_279 = arith.constant 0 : i32
    %dma_start3A_280 = tpu.memref_slice %arg5[%dma_start3A_273, %dma_start3A_279] : memref<10x1024xi32, #tpu.memory_space<vmem>> -> memref<1x1024xi32, #tpu.memory_space<vmem>>
    %dma_start3A_281 = tpu.memref_squeeze %dma_start3A_280 : memref<1x1024xi32, #tpu.memory_space<vmem>> -> memref<1024xi32, #tpu.memory_space<vmem>>
    %dma_start3A_282 = arith.constant 0 : i32
    %dma_start3A_283 = arith.constant 0 : i32
    %dma_start3A_284 = tpu.memref_slice %arg3[%dma_start3A_282, %dma_start3A_283] : memref<1000000x32xf32, #tpu.memory_space<hbm>> -> memref<1000000x32xf32, #tpu.memory_space<hbm>>
    tpu.enqueue_indirect_dma source(%dma_start3A_284 : memref<1000000x32xf32, #tpu.memory_space<hbm>>) target(%dma_start3A_278 : memref<1024x32xf32, #tpu.memory_space<vmem>>) offsets(%dma_start3A_281 : memref<1024xi32, #tpu.memory_space<vmem>>) semaphore(%arg7 : memref<!tpu.dma_semaphore, #tpu.memory_space<semaphore_mem>>)
    %dma_wait3A_285 = arith.constant 5 : i32
    %dma_wait3A_286 = arith.constant 1 : i32
    %dma_wait3A_287 = arith.constant 0 : i32
    %dma_wait3A_288 = arith.constant 0 : i32
    %dma_wait3A_289 = tpu.memref_slice %arg6[%dma_wait3A_286, %dma_wait3A_287, %dma_wait3A_288] : memref<2x1024x32xf32, #tpu.memory_space<vmem>> -> memref<1x1024x32xf32, #tpu.memory_space<vmem>>
    %dma_wait3A_290 = tpu.memref_squeeze %dma_wait3A_289 : memref<1x1024x32xf32, #tpu.memory_space<vmem>> -> memref<1024x32xf32, #tpu.memory_space<vmem>>
    %dma_wait3A_291 = arith.constant 0 : i32
    %dma_wait3A_292 = tpu.memref_slice %arg5[%dma_wait3A_285, %dma_wait3A_291] : memref<10x1024xi32, #tpu.memory_space<vmem>> -> memref<1x1024xi32, #tpu.memory_space<vmem>>
    %dma_wait3A_293 = tpu.memref_squeeze %dma_wait3A_292 : memref<1x1024xi32, #tpu.memory_space<vmem>> -> memref<1024xi32, #tpu.memory_space<vmem>>
    %dma_wait3A_294 = arith.constant 0 : i32
    %dma_wait3A_295 = arith.constant 0 : i32
    %dma_wait3A_296 = tpu.memref_slice %arg3[%dma_wait3A_294, %dma_wait3A_295] : memref<1000000x32xf32, #tpu.memory_space<hbm>> -> memref<1000000x32xf32, #tpu.memory_space<hbm>>
    tpu.wait_indirect_dma semaphore(%arg8 : memref<!tpu.dma_semaphore, #tpu.memory_space<semaphore_mem>>) src(%dma_wait3A_296 : memref<1000000x32xf32, #tpu.memory_space<hbm>>) dst(%dma_wait3A_290 : memref<1024x32xf32, #tpu.memory_space<vmem>>)
    %add3A_297 = arith.constant 5120 : i32
    %add3A_298 = arith.addi %mul3A_2, %add3A_297 : i32
    %dma_start3A_299 = arith.constant 1 : i32
    %dma_start3A_300 = arith.constant 0 : i32
    %dma_start3A_301 = arith.constant 0 : i32
    %dma_start3A_302 = tpu.memref_slice %arg6[%dma_start3A_299, %dma_start3A_300, %dma_start3A_301] : memref<2x1024x32xf32, #tpu.memory_space<vmem>> -> memref<1x1024x32xf32, #tpu.memory_space<vmem>>
    %dma_start3A_303 = tpu.memref_squeeze %dma_start3A_302 : memref<1x1024x32xf32, #tpu.memory_space<vmem>> -> memref<1024x32xf32, #tpu.memory_space<vmem>>
    %dma_start3A_304 = arith.constant 0 : i32
    %dma_start3A_305 = tpu.memref_slice %arg4[%add3A_298, %dma_start3A_304] : memref<327680x32xf32, #tpu.memory_space<hbm>> -> memref<1024x32xf32, #tpu.memory_space<hbm>>
    %dma_start3A_306 = arith.constant 0 : i32
    %dma_start3A_307 = tpu.memref_slice %arg4[%add3A_298, %dma_start3A_306] : memref<327680x32xf32, #tpu.memory_space<hbm>> -> memref<1024x32xf32, #tpu.memory_space<hbm>>
    %dma_start3A_308 = arith.constant 0 : i32
    %dma_start3A_309 = arith.constant 0 : i32
    %dma_start3A_310 = tpu.memref_slice %arg6[%dma_start3A_299, %dma_start3A_308, %dma_start3A_309] : memref<2x1024x32xf32, #tpu.memory_space<vmem>> -> memref<1x1024x32xf32, #tpu.memory_space<vmem>>
    %dma_start3A_311 = tpu.memref_squeeze %dma_start3A_310 : memref<1x1024x32xf32, #tpu.memory_space<vmem>> -> memref<1024x32xf32, #tpu.memory_space<vmem>>
    tpu.enqueue_dma source(%dma_start3A_311 : memref<1024x32xf32, #tpu.memory_space<vmem>>) target(%dma_start3A_307 : memref<1024x32xf32, #tpu.memory_space<hbm>>) target_semaphore(%arg10 : memref<!tpu.dma_semaphore, #tpu.memory_space<semaphore_mem>>)
    %dma_wait3A_312 = arith.constant 1 : i32
    %dma_wait3A_313 = arith.constant 0 : i32
    %dma_wait3A_314 = arith.constant 0 : i32
    %dma_wait3A_315 = tpu.memref_slice %arg6[%dma_wait3A_312, %dma_wait3A_313, %dma_wait3A_314] : memref<2x1024x32xf32, #tpu.memory_space<vmem>> -> memref<1x1024x32xf32, #tpu.memory_space<vmem>>
    %dma_wait3A_316 = tpu.memref_squeeze %dma_wait3A_315 : memref<1x1024x32xf32, #tpu.memory_space<vmem>> -> memref<1024x32xf32, #tpu.memory_space<vmem>>
    %dma_wait3A_317 = arith.constant 0 : i32
    %dma_wait3A_318 = tpu.memref_slice %arg4[%add3A_298, %dma_wait3A_317] : memref<327680x32xf32, #tpu.memory_space<hbm>> -> memref<1024x32xf32, #tpu.memory_space<hbm>>
    %dma_wait3A_319 = arith.constant 0 : i32
    %dma_wait3A_320 = tpu.memref_slice %arg4[%add3A_298, %dma_wait3A_319] : memref<327680x32xf32, #tpu.memory_space<hbm>> -> memref<1024x32xf32, #tpu.memory_space<hbm>>
    %dma_wait3A_321 = arith.constant 0 : i32
    %dma_wait3A_322 = arith.constant 0 : i32
    %dma_wait3A_323 = tpu.memref_slice %arg6[%dma_wait3A_312, %dma_wait3A_321, %dma_wait3A_322] : memref<2x1024x32xf32, #tpu.memory_space<vmem>> -> memref<1x1024x32xf32, #tpu.memory_space<vmem>>
    %dma_wait3A_324 = tpu.memref_squeeze %dma_wait3A_323 : memref<1x1024x32xf32, #tpu.memory_space<vmem>> -> memref<1024x32xf32, #tpu.memory_space<vmem>>
    tpu.wait_dma2 semaphore(%arg10 : memref<!tpu.dma_semaphore, #tpu.memory_space<semaphore_mem>>) src(%dma_wait3A_324 : memref<1024x32xf32, #tpu.memory_space<vmem>>) dst(%dma_wait3A_320 : memref<1024x32xf32, #tpu.memory_space<hbm>>)
    %dma_start3A_325 = arith.constant 7 : i32
    %dma_start3A_326 = arith.constant 1 : i32
    %dma_start3A_327 = arith.constant 0 : i32
    %dma_start3A_328 = arith.constant 0 : i32
    %dma_start3A_329 = tpu.memref_slice %arg6[%dma_start3A_326, %dma_start3A_327, %dma_start3A_328] : memref<2x1024x32xf32, #tpu.memory_space<vmem>> -> memref<1x1024x32xf32, #tpu.memory_space<vmem>>
    %dma_start3A_330 = tpu.memref_squeeze %dma_start3A_329 : memref<1x1024x32xf32, #tpu.memory_space<vmem>> -> memref<1024x32xf32, #tpu.memory_space<vmem>>
    %dma_start3A_331 = arith.constant 0 : i32
    %dma_start3A_332 = tpu.memref_slice %arg5[%dma_start3A_325, %dma_start3A_331] : memref<10x1024xi32, #tpu.memory_space<vmem>> -> memref<1x1024xi32, #tpu.memory_space<vmem>>
    %dma_start3A_333 = tpu.memref_squeeze %dma_start3A_332 : memref<1x1024xi32, #tpu.memory_space<vmem>> -> memref<1024xi32, #tpu.memory_space<vmem>>
    %dma_start3A_334 = arith.constant 0 : i32
    %dma_start3A_335 = arith.constant 0 : i32
    %dma_start3A_336 = tpu.memref_slice %arg3[%dma_start3A_334, %dma_start3A_335] : memref<1000000x32xf32, #tpu.memory_space<hbm>> -> memref<1000000x32xf32, #tpu.memory_space<hbm>>
    tpu.enqueue_indirect_dma source(%dma_start3A_336 : memref<1000000x32xf32, #tpu.memory_space<hbm>>) target(%dma_start3A_330 : memref<1024x32xf32, #tpu.memory_space<vmem>>) offsets(%dma_start3A_333 : memref<1024xi32, #tpu.memory_space<vmem>>) semaphore(%arg8 : memref<!tpu.dma_semaphore, #tpu.memory_space<semaphore_mem>>)
    %dma_wait3A_337 = arith.constant 6 : i32
    %dma_wait3A_338 = arith.constant 0 : i32
    %dma_wait3A_339 = arith.constant 0 : i32
    %dma_wait3A_340 = arith.constant 0 : i32
    %dma_wait3A_341 = tpu.memref_slice %arg6[%dma_wait3A_338, %dma_wait3A_339, %dma_wait3A_340] : memref<2x1024x32xf32, #tpu.memory_space<vmem>> -> memref<1x1024x32xf32, #tpu.memory_space<vmem>>
    %dma_wait3A_342 = tpu.memref_squeeze %dma_wait3A_341 : memref<1x1024x32xf32, #tpu.memory_space<vmem>> -> memref<1024x32xf32, #tpu.memory_space<vmem>>
    %dma_wait3A_343 = arith.constant 0 : i32
    %dma_wait3A_344 = tpu.memref_slice %arg5[%dma_wait3A_337, %dma_wait3A_343] : memref<10x1024xi32, #tpu.memory_space<vmem>> -> memref<1x1024xi32, #tpu.memory_space<vmem>>
    %dma_wait3A_345 = tpu.memref_squeeze %dma_wait3A_344 : memref<1x1024xi32, #tpu.memory_space<vmem>> -> memref<1024xi32, #tpu.memory_space<vmem>>
    %dma_wait3A_346 = arith.constant 0 : i32
    %dma_wait3A_347 = arith.constant 0 : i32
    %dma_wait3A_348 = tpu.memref_slice %arg3[%dma_wait3A_346, %dma_wait3A_347] : memref<1000000x32xf32, #tpu.memory_space<hbm>> -> memref<1000000x32xf32, #tpu.memory_space<hbm>>
    tpu.wait_indirect_dma semaphore(%arg7 : memref<!tpu.dma_semaphore, #tpu.memory_space<semaphore_mem>>) src(%dma_wait3A_348 : memref<1000000x32xf32, #tpu.memory_space<hbm>>) dst(%dma_wait3A_342 : memref<1024x32xf32, #tpu.memory_space<vmem>>)
    %add3A_349 = arith.constant 6144 : i32
    %add3A_350 = arith.addi %mul3A_2, %add3A_349 : i32
    %dma_start3A_351 = arith.constant 0 : i32
    %dma_start3A_352 = arith.constant 0 : i32
    %dma_start3A_353 = arith.constant 0 : i32
    %dma_start3A_354 = tpu.memref_slice %arg6[%dma_start3A_351, %dma_start3A_352, %dma_start3A_353] : memref<2x1024x32xf32, #tpu.memory_space<vmem>> -> memref<1x1024x32xf32, #tpu.memory_space<vmem>>
    %dma_start3A_355 = tpu.memref_squeeze %dma_start3A_354 : memref<1x1024x32xf32, #tpu.memory_space<vmem>> -> memref<1024x32xf32, #tpu.memory_space<vmem>>
    %dma_start3A_356 = arith.constant 0 : i32
    %dma_start3A_357 = tpu.memref_slice %arg4[%add3A_350, %dma_start3A_356] : memref<327680x32xf32, #tpu.memory_space<hbm>> -> memref<1024x32xf32, #tpu.memory_space<hbm>>
    %dma_start3A_358 = arith.constant 0 : i32
    %dma_start3A_359 = tpu.memref_slice %arg4[%add3A_350, %dma_start3A_358] : memref<327680x32xf32, #tpu.memory_space<hbm>> -> memref<1024x32xf32, #tpu.memory_space<hbm>>
    %dma_start3A_360 = arith.constant 0 : i32
    %dma_start3A_361 = arith.constant 0 : i32
    %dma_start3A_362 = tpu.memref_slice %arg6[%dma_start3A_351, %dma_start3A_360, %dma_start3A_361] : memref<2x1024x32xf32, #tpu.memory_space<vmem>> -> memref<1x1024x32xf32, #tpu.memory_space<vmem>>
    %dma_start3A_363 = tpu.memref_squeeze %dma_start3A_362 : memref<1x1024x32xf32, #tpu.memory_space<vmem>> -> memref<1024x32xf32, #tpu.memory_space<vmem>>
    tpu.enqueue_dma source(%dma_start3A_363 : memref<1024x32xf32, #tpu.memory_space<vmem>>) target(%dma_start3A_359 : memref<1024x32xf32, #tpu.memory_space<hbm>>) target_semaphore(%arg9 : memref<!tpu.dma_semaphore, #tpu.memory_space<semaphore_mem>>)
    %dma_wait3A_364 = arith.constant 0 : i32
    %dma_wait3A_365 = arith.constant 0 : i32
    %dma_wait3A_366 = arith.constant 0 : i32
    %dma_wait3A_367 = tpu.memref_slice %arg6[%dma_wait3A_364, %dma_wait3A_365, %dma_wait3A_366] : memref<2x1024x32xf32, #tpu.memory_space<vmem>> -> memref<1x1024x32xf32, #tpu.memory_space<vmem>>
    %dma_wait3A_368 = tpu.memref_squeeze %dma_wait3A_367 : memref<1x1024x32xf32, #tpu.memory_space<vmem>> -> memref<1024x32xf32, #tpu.memory_space<vmem>>
    %dma_wait3A_369 = arith.constant 0 : i32
    %dma_wait3A_370 = tpu.memref_slice %arg4[%add3A_350, %dma_wait3A_369] : memref<327680x32xf32, #tpu.memory_space<hbm>> -> memref<1024x32xf32, #tpu.memory_space<hbm>>
    %dma_wait3A_371 = arith.constant 0 : i32
    %dma_wait3A_372 = tpu.memref_slice %arg4[%add3A_350, %dma_wait3A_371] : memref<327680x32xf32, #tpu.memory_space<hbm>> -> memref<1024x32xf32, #tpu.memory_space<hbm>>
    %dma_wait3A_373 = arith.constant 0 : i32
    %dma_wait3A_374 = arith.constant 0 : i32
    %dma_wait3A_375 = tpu.memref_slice %arg6[%dma_wait3A_364, %dma_wait3A_373, %dma_wait3A_374] : memref<2x1024x32xf32, #tpu.memory_space<vmem>> -> memref<1x1024x32xf32, #tpu.memory_space<vmem>>
    %dma_wait3A_376 = tpu.memref_squeeze %dma_wait3A_375 : memref<1x1024x32xf32, #tpu.memory_space<vmem>> -> memref<1024x32xf32, #tpu.memory_space<vmem>>
    tpu.wait_dma2 semaphore(%arg9 : memref<!tpu.dma_semaphore, #tpu.memory_space<semaphore_mem>>) src(%dma_wait3A_376 : memref<1024x32xf32, #tpu.memory_space<vmem>>) dst(%dma_wait3A_372 : memref<1024x32xf32, #tpu.memory_space<hbm>>)
    %dma_start3A_377 = arith.constant 8 : i32
    %dma_start3A_378 = arith.constant 0 : i32
    %dma_start3A_379 = arith.constant 0 : i32
    %dma_start3A_380 = arith.constant 0 : i32
    %dma_start3A_381 = tpu.memref_slice %arg6[%dma_start3A_378, %dma_start3A_379, %dma_start3A_380] : memref<2x1024x32xf32, #tpu.memory_space<vmem>> -> memref<1x1024x32xf32, #tpu.memory_space<vmem>>
    %dma_start3A_382 = tpu.memref_squeeze %dma_start3A_381 : memref<1x1024x32xf32, #tpu.memory_space<vmem>> -> memref<1024x32xf32, #tpu.memory_space<vmem>>
    %dma_start3A_383 = arith.constant 0 : i32
    %dma_start3A_384 = tpu.memref_slice %arg5[%dma_start3A_377, %dma_start3A_383] : memref<10x1024xi32, #tpu.memory_space<vmem>> -> memref<1x1024xi32, #tpu.memory_space<vmem>>
    %dma_start3A_385 = tpu.memref_squeeze %dma_start3A_384 : memref<1x1024xi32, #tpu.memory_space<vmem>> -> memref<1024xi32, #tpu.memory_space<vmem>>
    %dma_start3A_386 = arith.constant 0 : i32
    %dma_start3A_387 = arith.constant 0 : i32
    %dma_start3A_388 = tpu.memref_slice %arg3[%dma_start3A_386, %dma_start3A_387] : memref<1000000x32xf32, #tpu.memory_space<hbm>> -> memref<1000000x32xf32, #tpu.memory_space<hbm>>
    tpu.enqueue_indirect_dma source(%dma_start3A_388 : memref<1000000x32xf32, #tpu.memory_space<hbm>>) target(%dma_start3A_382 : memref<1024x32xf32, #tpu.memory_space<vmem>>) offsets(%dma_start3A_385 : memref<1024xi32, #tpu.memory_space<vmem>>) semaphore(%arg7 : memref<!tpu.dma_semaphore, #tpu.memory_space<semaphore_mem>>)
    %dma_wait3A_389 = arith.constant 7 : i32
    %dma_wait3A_390 = arith.constant 1 : i32
    %dma_wait3A_391 = arith.constant 0 : i32
    %dma_wait3A_392 = arith.constant 0 : i32
    %dma_wait3A_393 = tpu.memref_slice %arg6[%dma_wait3A_390, %dma_wait3A_391, %dma_wait3A_392] : memref<2x1024x32xf32, #tpu.memory_space<vmem>> -> memref<1x1024x32xf32, #tpu.memory_space<vmem>>
    %dma_wait3A_394 = tpu.memref_squeeze %dma_wait3A_393 : memref<1x1024x32xf32, #tpu.memory_space<vmem>> -> memref<1024x32xf32, #tpu.memory_space<vmem>>
    %dma_wait3A_395 = arith.constant 0 : i32
    %dma_wait3A_396 = tpu.memref_slice %arg5[%dma_wait3A_389, %dma_wait3A_395] : memref<10x1024xi32, #tpu.memory_space<vmem>> -> memref<1x1024xi32, #tpu.memory_space<vmem>>
    %dma_wait3A_397 = tpu.memref_squeeze %dma_wait3A_396 : memref<1x1024xi32, #tpu.memory_space<vmem>> -> memref<1024xi32, #tpu.memory_space<vmem>>
    %dma_wait3A_398 = arith.constant 0 : i32
    %dma_wait3A_399 = arith.constant 0 : i32
    %dma_wait3A_400 = tpu.memref_slice %arg3[%dma_wait3A_398, %dma_wait3A_399] : memref<1000000x32xf32, #tpu.memory_space<hbm>> -> memref<1000000x32xf32, #tpu.memory_space<hbm>>
    tpu.wait_indirect_dma semaphore(%arg8 : memref<!tpu.dma_semaphore, #tpu.memory_space<semaphore_mem>>) src(%dma_wait3A_400 : memref<1000000x32xf32, #tpu.memory_space<hbm>>) dst(%dma_wait3A_394 : memref<1024x32xf32, #tpu.memory_space<vmem>>)
    %add3A_401 = arith.constant 7168 : i32
    %add3A_402 = arith.addi %mul3A_2, %add3A_401 : i32
    %dma_start3A_403 = arith.constant 1 : i32
    %dma_start3A_404 = arith.constant 0 : i32
    %dma_start3A_405 = arith.constant 0 : i32
    %dma_start3A_406 = tpu.memref_slice %arg6[%dma_start3A_403, %dma_start3A_404, %dma_start3A_405] : memref<2x1024x32xf32, #tpu.memory_space<vmem>> -> memref<1x1024x32xf32, #tpu.memory_space<vmem>>
    %dma_start3A_407 = tpu.memref_squeeze %dma_start3A_406 : memref<1x1024x32xf32, #tpu.memory_space<vmem>> -> memref<1024x32xf32, #tpu.memory_space<vmem>>
    %dma_start3A_408 = arith.constant 0 : i32
    %dma_start3A_409 = tpu.memref_slice %arg4[%add3A_402, %dma_start3A_408] : memref<327680x32xf32, #tpu.memory_space<hbm>> -> memref<1024x32xf32, #tpu.memory_space<hbm>>
    %dma_start3A_410 = arith.constant 0 : i32
    %dma_start3A_411 = tpu.memref_slice %arg4[%add3A_402, %dma_start3A_410] : memref<327680x32xf32, #tpu.memory_space<hbm>> -> memref<1024x32xf32, #tpu.memory_space<hbm>>
    %dma_start3A_412 = arith.constant 0 : i32
    %dma_start3A_413 = arith.constant 0 : i32
    %dma_start3A_414 = tpu.memref_slice %arg6[%dma_start3A_403, %dma_start3A_412, %dma_start3A_413] : memref<2x1024x32xf32, #tpu.memory_space<vmem>> -> memref<1x1024x32xf32, #tpu.memory_space<vmem>>
    %dma_start3A_415 = tpu.memref_squeeze %dma_start3A_414 : memref<1x1024x32xf32, #tpu.memory_space<vmem>> -> memref<1024x32xf32, #tpu.memory_space<vmem>>
    tpu.enqueue_dma source(%dma_start3A_415 : memref<1024x32xf32, #tpu.memory_space<vmem>>) target(%dma_start3A_411 : memref<1024x32xf32, #tpu.memory_space<hbm>>) target_semaphore(%arg10 : memref<!tpu.dma_semaphore, #tpu.memory_space<semaphore_mem>>)
    %dma_wait3A_416 = arith.constant 1 : i32
    %dma_wait3A_417 = arith.constant 0 : i32
    %dma_wait3A_418 = arith.constant 0 : i32
    %dma_wait3A_419 = tpu.memref_slice %arg6[%dma_wait3A_416, %dma_wait3A_417, %dma_wait3A_418] : memref<2x1024x32xf32, #tpu.memory_space<vmem>> -> memref<1x1024x32xf32, #tpu.memory_space<vmem>>
    %dma_wait3A_420 = tpu.memref_squeeze %dma_wait3A_419 : memref<1x1024x32xf32, #tpu.memory_space<vmem>> -> memref<1024x32xf32, #tpu.memory_space<vmem>>
    %dma_wait3A_421 = arith.constant 0 : i32
    %dma_wait3A_422 = tpu.memref_slice %arg4[%add3A_402, %dma_wait3A_421] : memref<327680x32xf32, #tpu.memory_space<hbm>> -> memref<1024x32xf32, #tpu.memory_space<hbm>>
    %dma_wait3A_423 = arith.constant 0 : i32
    %dma_wait3A_424 = tpu.memref_slice %arg4[%add3A_402, %dma_wait3A_423] : memref<327680x32xf32, #tpu.memory_space<hbm>> -> memref<1024x32xf32, #tpu.memory_space<hbm>>
    %dma_wait3A_425 = arith.constant 0 : i32
    %dma_wait3A_426 = arith.constant 0 : i32
    %dma_wait3A_427 = tpu.memref_slice %arg6[%dma_wait3A_416, %dma_wait3A_425, %dma_wait3A_426] : memref<2x1024x32xf32, #tpu.memory_space<vmem>> -> memref<1x1024x32xf32, #tpu.memory_space<vmem>>
    %dma_wait3A_428 = tpu.memref_squeeze %dma_wait3A_427 : memref<1x1024x32xf32, #tpu.memory_space<vmem>> -> memref<1024x32xf32, #tpu.memory_space<vmem>>
    tpu.wait_dma2 semaphore(%arg10 : memref<!tpu.dma_semaphore, #tpu.memory_space<semaphore_mem>>) src(%dma_wait3A_428 : memref<1024x32xf32, #tpu.memory_space<vmem>>) dst(%dma_wait3A_424 : memref<1024x32xf32, #tpu.memory_space<hbm>>)
    %dma_start3A_429 = arith.constant 9 : i32
    %dma_start3A_430 = arith.constant 1 : i32
    %dma_start3A_431 = arith.constant 0 : i32
    %dma_start3A_432 = arith.constant 0 : i32
    %dma_start3A_433 = tpu.memref_slice %arg6[%dma_start3A_430, %dma_start3A_431, %dma_start3A_432] : memref<2x1024x32xf32, #tpu.memory_space<vmem>> -> memref<1x1024x32xf32, #tpu.memory_space<vmem>>
    %dma_start3A_434 = tpu.memref_squeeze %dma_start3A_433 : memref<1x1024x32xf32, #tpu.memory_space<vmem>> -> memref<1024x32xf32, #tpu.memory_space<vmem>>
    %dma_start3A_435 = arith.constant 0 : i32
    %dma_start3A_436 = tpu.memref_slice %arg5[%dma_start3A_429, %dma_start3A_435] : memref<10x1024xi32, #tpu.memory_space<vmem>> -> memref<1x1024xi32, #tpu.memory_space<vmem>>
    %dma_start3A_437 = tpu.memref_squeeze %dma_start3A_436 : memref<1x1024xi32, #tpu.memory_space<vmem>> -> memref<1024xi32, #tpu.memory_space<vmem>>
    %dma_start3A_438 = arith.constant 0 : i32
    %dma_start3A_439 = arith.constant 0 : i32
    %dma_start3A_440 = tpu.memref_slice %arg3[%dma_start3A_438, %dma_start3A_439] : memref<1000000x32xf32, #tpu.memory_space<hbm>> -> memref<1000000x32xf32, #tpu.memory_space<hbm>>
    tpu.enqueue_indirect_dma source(%dma_start3A_440 : memref<1000000x32xf32, #tpu.memory_space<hbm>>) target(%dma_start3A_434 : memref<1024x32xf32, #tpu.memory_space<vmem>>) offsets(%dma_start3A_437 : memref<1024xi32, #tpu.memory_space<vmem>>) semaphore(%arg8 : memref<!tpu.dma_semaphore, #tpu.memory_space<semaphore_mem>>)
    %dma_wait3A_441 = arith.constant 8 : i32
    %dma_wait3A_442 = arith.constant 0 : i32
    %dma_wait3A_443 = arith.constant 0 : i32
    %dma_wait3A_444 = arith.constant 0 : i32
    %dma_wait3A_445 = tpu.memref_slice %arg6[%dma_wait3A_442, %dma_wait3A_443, %dma_wait3A_444] : memref<2x1024x32xf32, #tpu.memory_space<vmem>> -> memref<1x1024x32xf32, #tpu.memory_space<vmem>>
    %dma_wait3A_446 = tpu.memref_squeeze %dma_wait3A_445 : memref<1x1024x32xf32, #tpu.memory_space<vmem>> -> memref<1024x32xf32, #tpu.memory_space<vmem>>
    %dma_wait3A_447 = arith.constant 0 : i32
    %dma_wait3A_448 = tpu.memref_slice %arg5[%dma_wait3A_441, %dma_wait3A_447] : memref<10x1024xi32, #tpu.memory_space<vmem>> -> memref<1x1024xi32, #tpu.memory_space<vmem>>
    %dma_wait3A_449 = tpu.memref_squeeze %dma_wait3A_448 : memref<1x1024xi32, #tpu.memory_space<vmem>> -> memref<1024xi32, #tpu.memory_space<vmem>>
    %dma_wait3A_450 = arith.constant 0 : i32
    %dma_wait3A_451 = arith.constant 0 : i32
    %dma_wait3A_452 = tpu.memref_slice %arg3[%dma_wait3A_450, %dma_wait3A_451] : memref<1000000x32xf32, #tpu.memory_space<hbm>> -> memref<1000000x32xf32, #tpu.memory_space<hbm>>
    tpu.wait_indirect_dma semaphore(%arg7 : memref<!tpu.dma_semaphore, #tpu.memory_space<semaphore_mem>>) src(%dma_wait3A_452 : memref<1000000x32xf32, #tpu.memory_space<hbm>>) dst(%dma_wait3A_446 : memref<1024x32xf32, #tpu.memory_space<vmem>>)
    %add3A_453 = arith.constant 8192 : i32
    %add3A_454 = arith.addi %mul3A_2, %add3A_453 : i32
    %dma_start3A_455 = arith.constant 0 : i32
    %dma_start3A_456 = arith.constant 0 : i32
    %dma_start3A_457 = arith.constant 0 : i32
    %dma_start3A_458 = tpu.memref_slice %arg6[%dma_start3A_455, %dma_start3A_456, %dma_start3A_457] : memref<2x1024x32xf32, #tpu.memory_space<vmem>> -> memref<1x1024x32xf32, #tpu.memory_space<vmem>>
    %dma_start3A_459 = tpu.memref_squeeze %dma_start3A_458 : memref<1x1024x32xf32, #tpu.memory_space<vmem>> -> memref<1024x32xf32, #tpu.memory_space<vmem>>
    %dma_start3A_460 = arith.constant 0 : i32
    %dma_start3A_461 = tpu.memref_slice %arg4[%add3A_454, %dma_start3A_460] : memref<327680x32xf32, #tpu.memory_space<hbm>> -> memref<1024x32xf32, #tpu.memory_space<hbm>>
    %dma_start3A_462 = arith.constant 0 : i32
    %dma_start3A_463 = tpu.memref_slice %arg4[%add3A_454, %dma_start3A_462] : memref<327680x32xf32, #tpu.memory_space<hbm>> -> memref<1024x32xf32, #tpu.memory_space<hbm>>
    %dma_start3A_464 = arith.constant 0 : i32
    %dma_start3A_465 = arith.constant 0 : i32
    %dma_start3A_466 = tpu.memref_slice %arg6[%dma_start3A_455, %dma_start3A_464, %dma_start3A_465] : memref<2x1024x32xf32, #tpu.memory_space<vmem>> -> memref<1x1024x32xf32, #tpu.memory_space<vmem>>
    %dma_start3A_467 = tpu.memref_squeeze %dma_start3A_466 : memref<1x1024x32xf32, #tpu.memory_space<vmem>> -> memref<1024x32xf32, #tpu.memory_space<vmem>>
    tpu.enqueue_dma source(%dma_start3A_467 : memref<1024x32xf32, #tpu.memory_space<vmem>>) target(%dma_start3A_463 : memref<1024x32xf32, #tpu.memory_space<hbm>>) target_semaphore(%arg9 : memref<!tpu.dma_semaphore, #tpu.memory_space<semaphore_mem>>)
    %dma_wait3A_468 = arith.constant 9 : i32
    %dma_wait3A_469 = arith.constant 1 : i32
    %dma_wait3A_470 = arith.constant 0 : i32
    %dma_wait3A_471 = arith.constant 0 : i32
    %dma_wait3A_472 = tpu.memref_slice %arg6[%dma_wait3A_469, %dma_wait3A_470, %dma_wait3A_471] : memref<2x1024x32xf32, #tpu.memory_space<vmem>> -> memref<1x1024x32xf32, #tpu.memory_space<vmem>>
    %dma_wait3A_473 = tpu.memref_squeeze %dma_wait3A_472 : memref<1x1024x32xf32, #tpu.memory_space<vmem>> -> memref<1024x32xf32, #tpu.memory_space<vmem>>
    %dma_wait3A_474 = arith.constant 0 : i32
    %dma_wait3A_475 = tpu.memref_slice %arg5[%dma_wait3A_468, %dma_wait3A_474] : memref<10x1024xi32, #tpu.memory_space<vmem>> -> memref<1x1024xi32, #tpu.memory_space<vmem>>
    %dma_wait3A_476 = tpu.memref_squeeze %dma_wait3A_475 : memref<1x1024xi32, #tpu.memory_space<vmem>> -> memref<1024xi32, #tpu.memory_space<vmem>>
    %dma_wait3A_477 = arith.constant 0 : i32
    %dma_wait3A_478 = arith.constant 0 : i32
    %dma_wait3A_479 = tpu.memref_slice %arg3[%dma_wait3A_477, %dma_wait3A_478] : memref<1000000x32xf32, #tpu.memory_space<hbm>> -> memref<1000000x32xf32, #tpu.memory_space<hbm>>
    tpu.wait_indirect_dma semaphore(%arg8 : memref<!tpu.dma_semaphore, #tpu.memory_space<semaphore_mem>>) src(%dma_wait3A_479 : memref<1000000x32xf32, #tpu.memory_space<hbm>>) dst(%dma_wait3A_473 : memref<1024x32xf32, #tpu.memory_space<vmem>>)
    %add3A_480 = arith.constant 9216 : i32
    %add3A_481 = arith.addi %mul3A_2, %add3A_480 : i32
    %dma_start3A_482 = arith.constant 1 : i32
    %dma_start3A_483 = arith.constant 0 : i32
    %dma_start3A_484 = arith.constant 0 : i32
    %dma_start3A_485 = tpu.memref_slice %arg6[%dma_start3A_482, %dma_start3A_483, %dma_start3A_484] : memref<2x1024x32xf32, #tpu.memory_space<vmem>> -> memref<1x1024x32xf32, #tpu.memory_space<vmem>>
    %dma_start3A_486 = tpu.memref_squeeze %dma_start3A_485 : memref<1x1024x32xf32, #tpu.memory_space<vmem>> -> memref<1024x32xf32, #tpu.memory_space<vmem>>
    %dma_start3A_487 = arith.constant 0 : i32
    %dma_start3A_488 = tpu.memref_slice %arg4[%add3A_481, %dma_start3A_487] : memref<327680x32xf32, #tpu.memory_space<hbm>> -> memref<1024x32xf32, #tpu.memory_space<hbm>>
    %dma_start3A_489 = arith.constant 0 : i32
    %dma_start3A_490 = tpu.memref_slice %arg4[%add3A_481, %dma_start3A_489] : memref<327680x32xf32, #tpu.memory_space<hbm>> -> memref<1024x32xf32, #tpu.memory_space<hbm>>
    %dma_start3A_491 = arith.constant 0 : i32
    %dma_start3A_492 = arith.constant 0 : i32
    %dma_start3A_493 = tpu.memref_slice %arg6[%dma_start3A_482, %dma_start3A_491, %dma_start3A_492] : memref<2x1024x32xf32, #tpu.memory_space<vmem>> -> memref<1x1024x32xf32, #tpu.memory_space<vmem>>
    %dma_start3A_494 = tpu.memref_squeeze %dma_start3A_493 : memref<1x1024x32xf32, #tpu.memory_space<vmem>> -> memref<1024x32xf32, #tpu.memory_space<vmem>>
    tpu.enqueue_dma source(%dma_start3A_494 : memref<1024x32xf32, #tpu.memory_space<vmem>>) target(%dma_start3A_490 : memref<1024x32xf32, #tpu.memory_space<hbm>>) target_semaphore(%arg10 : memref<!tpu.dma_semaphore, #tpu.memory_space<semaphore_mem>>)
    %dma_wait3A_495 = arith.constant 0 : i32
    %dma_wait3A_496 = arith.constant 0 : i32
    %dma_wait3A_497 = arith.constant 0 : i32
    %dma_wait3A_498 = tpu.memref_slice %arg6[%dma_wait3A_495, %dma_wait3A_496, %dma_wait3A_497] : memref<2x1024x32xf32, #tpu.memory_space<vmem>> -> memref<1x1024x32xf32, #tpu.memory_space<vmem>>
    %dma_wait3A_499 = tpu.memref_squeeze %dma_wait3A_498 : memref<1x1024x32xf32, #tpu.memory_space<vmem>> -> memref<1024x32xf32, #tpu.memory_space<vmem>>
    %dma_wait3A_500 = arith.constant 0 : i32
    %dma_wait3A_501 = tpu.memref_slice %arg4[%add3A_454, %dma_wait3A_500] : memref<327680x32xf32, #tpu.memory_space<hbm>> -> memref<1024x32xf32, #tpu.memory_space<hbm>>
    %dma_wait3A_502 = arith.constant 0 : i32
    %dma_wait3A_503 = tpu.memref_slice %arg4[%add3A_454, %dma_wait3A_502] : memref<327680x32xf32, #tpu.memory_space<hbm>> -> memref<1024x32xf32, #tpu.memory_space<hbm>>
    %dma_wait3A_504 = arith.constant 0 : i32
    %dma_wait3A_505 = arith.constant 0 : i32
    %dma_wait3A_506 = tpu.memref_slice %arg6[%dma_wait3A_495, %dma_wait3A_504, %dma_wait3A_505] : memref<2x1024x32xf32, #tpu.memory_space<vmem>> -> memref<1x1024x32xf32, #tpu.memory_space<vmem>>
    %dma_wait3A_507 = tpu.memref_squeeze %dma_wait3A_506 : memref<1x1024x32xf32, #tpu.memory_space<vmem>> -> memref<1024x32xf32, #tpu.memory_space<vmem>>
    tpu.wait_dma2 semaphore(%arg9 : memref<!tpu.dma_semaphore, #tpu.memory_space<semaphore_mem>>) src(%dma_wait3A_507 : memref<1024x32xf32, #tpu.memory_space<vmem>>) dst(%dma_wait3A_503 : memref<1024x32xf32, #tpu.memory_space<hbm>>)
    %dma_wait3A_508 = arith.constant 1 : i32
    %dma_wait3A_509 = arith.constant 0 : i32
    %dma_wait3A_510 = arith.constant 0 : i32
    %dma_wait3A_511 = tpu.memref_slice %arg6[%dma_wait3A_508, %dma_wait3A_509, %dma_wait3A_510] : memref<2x1024x32xf32, #tpu.memory_space<vmem>> -> memref<1x1024x32xf32, #tpu.memory_space<vmem>>
    %dma_wait3A_512 = tpu.memref_squeeze %dma_wait3A_511 : memref<1x1024x32xf32, #tpu.memory_space<vmem>> -> memref<1024x32xf32, #tpu.memory_space<vmem>>
    %dma_wait3A_513 = arith.constant 0 : i32
    %dma_wait3A_514 = tpu.memref_slice %arg4[%add3A_481, %dma_wait3A_513] : memref<327680x32xf32, #tpu.memory_space<hbm>> -> memref<1024x32xf32, #tpu.memory_space<hbm>>
    %dma_wait3A_515 = arith.constant 0 : i32
    %dma_wait3A_516 = tpu.memref_slice %arg4[%add3A_481, %dma_wait3A_515] : memref<327680x32xf32, #tpu.memory_space<hbm>> -> memref<1024x32xf32, #tpu.memory_space<hbm>>
    %dma_wait3A_517 = arith.constant 0 : i32
    %dma_wait3A_518 = arith.constant 0 : i32
    %dma_wait3A_519 = tpu.memref_slice %arg6[%dma_wait3A_508, %dma_wait3A_517, %dma_wait3A_518] : memref<2x1024x32xf32, #tpu.memory_space<vmem>> -> memref<1x1024x32xf32, #tpu.memory_space<vmem>>
    %dma_wait3A_520 = tpu.memref_squeeze %dma_wait3A_519 : memref<1x1024x32xf32, #tpu.memory_space<vmem>> -> memref<1024x32xf32, #tpu.memory_space<vmem>>
    tpu.wait_dma2 semaphore(%arg10 : memref<!tpu.dma_semaphore, #tpu.memory_space<semaphore_mem>>) src(%dma_wait3A_520 : memref<1024x32xf32, #tpu.memory_space<vmem>>) dst(%dma_wait3A_516 : memref<1024x32xf32, #tpu.memory_space<hbm>>)
    return
  }
}

</mosaic_0001>

<sc_bundles>
// kernel: kernel.3.cloned.1.call-start
scs
__scs_entry_jumppad:
0x0: {  	(pc) =	sbr.rel $0x88, $3  }
0x1: {  	(tag) =	ssettag $0x0;
	lr =	simm.s32 $0x1  }
0x2: {  	[smem:$0x3F9F] =	sst lr;
	_ =	strace $0xD0000000  }
0x3: {  	_ = 	snop  }
0x4: {  	_ = 	snop  }
0x5: {  	_ = 	snop  }
0x6: {  	_ = 	snop  }
0x7: {  	_ = 	snop  }
__scs_overlays_trampoline_lowered:
0x8: {  	[smem:$0x3FAE] =	sst s0  }
0x9: {  	[smem:$0x3FAF] =	sst s1  }
0xa: {  	[smem:$0x3FB0] =	sst s2  }
0xb: {  	[smem:$0x3FB1] =	sst s3  }
0xc: {  	[smem:$0x3FB2] =	sst s4  }
0xd: {  	[smem:$0x3FB3] =	sst s5  }
0xe: {  	[smem:$0x3FB4] =	sst s6  }
0xf: {  	[smem:$0x3FB5] =	sst s7  }
0x10: {  	[smem:$0x3FB6] =	sst s8  }
0x11: {  	[smem:$0x3FB7] =	sst s9;
	s0 =	simm.s32 @!p0 $0x0  }
0x12: {  	s1 =	sld [smem:$0x3F9D];
	s0 =	simm.s32 @p0 $0x1  }
0x13: {  	[smem:$0x3FB8] =	sst s0;
	s0 =	simm.s32 @!p1 $0x0  }
0x14: {  	s2 =	sld [smem:$0x3F9C];
	s0 =	simm.s32 @p1 $0x1  }
0x15: {  	[smem:$0x3FB9] =	sst s0;
	s0 =	simm.s32 @!p2 $0x0  }
0x16: {  	s3 =	sld [smem:$0x3FDB];
	s0 =	simm.s32 @p2 $0x1  }
0x17: {  	s4 =	simm.s32 $0x1BF5;
	[smem:$0x3FBB] =	sst s0  }
0x18: {  	s0 =	sld [smem:$0x3F9E];
	_ =	swait.ge [sflag:s4], $0x0  }
0x19: {  	s7 =	sld [smem:$0x3F9F]  }
0x1a: {  	s8 =	sadd.s32 $0xFFFFE003, lr  }
0x1b: {  	s9 =	sadd.s32 $0xFFFFFEF7, lr;
	s5 =	simm.s32 $0xFFFFFFFF;
	p2 =	slt.u32 s8, $0xFFFFF086  }
0x1c: {  	p1 =	slt.u32 s9, $0xF7A;
	s5 =	simm.s32 @!p2 $0x0  }
0x1d: {  	s5 =	simm.s32 @p1 $0x1;
	p0 =	seq.s32 s7, s2  }
0x1e: {  	s7 =	smul.u32 @!p0 $0xF7A, s2;
	p2 =	seq.s32 @!p0 s5, $0x0  }
0x1f: {  	s9 =	smul.u32 $0xF7A, s1;
	s8 =	simm.s32 @!p0 $0x1BF5;
	p2 =	por !p2, p0  }
0x20: {  	[sflag:s8] =	ssyncset.s32 @!p0 $0xFFFFF086;
	s6 =	sadd.s32 @!p0 s3, s7;
	s7 =	simm.s32 @!p0 $0x108  }
0x21: {  	s3 =	sadd.s32 s3, s9;
	s6 =	sadd.s32 @!p0 $0x88, s6;
	s7 =	simm.s32 @p2 $0x1082  }
0x22: {  	[simem:s7], [sflag:s8] =	dma.local @!p0 [hbm:s6], $0xF7A  }
0x23: {  	s9 =	sor.u32 $0xD0000000, s2;
	s6 =	simm.s32 $0x108;
	_ =	swait.ge @!p0 [sflag:s8], $0x0  }
0x24: {  	s3 =	sadd.s32 $0x88, s3;
	s6 =	simm.s32 @!p1 $0x1082;
	[sflag:s4] =	ssyncset.s32 $0xFFFFF086  }
0x25: {  	[simem:s6], [sflag:s4] =	dma.local [hbm:s3], $0xF7A  }
0x26: {  	[smem:$0x3F9F] =	sst s1;
	(tag) =	ssettag s2;
	_ =	strace s9  }
0x27: {  	s1 =	sld [smem:$0x3FAF]  }
0x28: {  	s2 =	sld [smem:$0x3FB0]  }
0x29: {  	s4 =	sld [smem:$0x3FB2]  }
0x2a: {  	p0 =	seq.s32 s5, $0x0;
	s5 =	sld [smem:$0x3FB3]  }
0x2b: {  	s6 =	sld [smem:$0x3FB4]  }
0x2c: {  	s7 =	sld [smem:$0x3FB5]  }
0x2d: {  	s3 =	simm.s32 $0x108;
	s8 =	sld [smem:$0x3FB6]  }
0x2e: {  	s3 =	simm.s32 @!p0 $0x1082;
	s9 =	sld [smem:$0x3FB7]  }
0x2f: {  	lr =	sadd.s32 s0, s3;
	s0 =	sld [smem:$0x3FAE]  }
0x30: {  	s3 =	sld [smem:$0x3FB1]  }
0x31: {  	[smem:$0x3FBA] =	sst s10  }
0x32: {  	s10 =	sld [smem:$0x3FB8];
	_ =	sdelay $0x3  }
0x33: {  	p0 =	seq.s32 s10, $0x1;
	s10 =	sld [smem:$0x3FBA];
	_ =	sdelay $0x3  }
0x34: {  	[smem:$0x3FBA] =	sst s10  }
0x35: {  	s10 =	sld [smem:$0x3FB9];
	_ =	sdelay $0x3  }
0x36: {  	p1 =	seq.s32 s10, $0x1;
	s10 =	sld [smem:$0x3FBA];
	_ =	sdelay $0x3  }
0x37: {  	[smem:$0x3FBA] =	sst s10  }
0x38: {  	s10 =	sld [smem:$0x3FBB]  }
0x39: {  	_ = 	snop;
	(pc) =	sbr.ind lr, $3  }
0x3a: {  	_ = 	snop  }
0x3b: {  	_ = 	snop  }
0x3c: {  	p2 =	seq.s32 s10, $0x1;
	s10 =	sld [smem:$0x3FBA]  }
0x3d: {  	_ =	shalt  }
0x3e: {  	_ =	shalt  }
0x3f: {  	_ =	shalt  }
0x40: {  	_ =	shalt  }
0x41: {  	_ =	shalt  }
0x42: {  	_ =	shalt  }
0x43: {  	_ =	shalt  }
0x44: {  	_ =	shalt  }
0x45: {  	_ =	shalt  }
0x46: {  	_ =	shalt  }
0x47: {  	_ =	shalt  }
0x48: {  	_ =	shalt  }
0x49: {  	_ =	shalt  }
0x4a: {  	_ =	shalt  }
0x4b: {  	_ =	shalt  }
0x4c: {  	_ =	shalt  }
0x4d: {  	_ =	shalt  }
0x4e: {  	_ =	shalt  }
0x4f: {  	_ =	shalt  }
0x50: {  	_ =	shalt  }
0x51: {  	_ =	shalt  }
0x52: {  	_ =	shalt  }
0x53: {  	_ =	shalt  }
0x54: {  	_ =	shalt  }
0x55: {  	_ =	shalt  }
0x56: {  	_ =	shalt  }
0x57: {  	_ =	shalt  }
0x58: {  	_ =	shalt  }
0x59: {  	_ =	shalt  }
0x5a: {  	_ =	shalt  }
0x5b: {  	_ =	shalt  }
0x5c: {  	_ =	shalt  }
0x5d: {  	_ =	shalt  }
0x5e: {  	_ =	shalt  }
0x5f: {  	_ =	shalt  }
0x60: {  	_ =	shalt  }
0x61: {  	_ =	shalt  }
0x62: {  	_ =	shalt  }
0x63: {  	_ =	shalt  }
0x64: {  	_ =	shalt  }
0x65: {  	_ =	shalt  }
0x66: {  	_ =	shalt  }
0x67: {  	_ =	shalt  }
0x68: {  	_ =	shalt  }
0x69: {  	_ =	shalt  }
0x6a: {  	_ =	shalt  }
0x6b: {  	_ =	shalt  }
0x6c: {  	_ =	shalt  }
0x6d: {  	_ =	shalt  }
0x6e: {  	_ =	shalt  }
0x6f: {  	_ =	shalt  }
0x70: {  	_ =	shalt  }
0x71: {  	_ =	shalt  }
0x72: {  	_ =	shalt  }
0x73: {  	_ =	shalt  }
0x74: {  	_ =	shalt  }
0x75: {  	_ =	shalt  }
0x76: {  	_ =	shalt  }
0x77: {  	_ =	shalt  }
0x78: {  	_ =	shalt  }
0x79: {  	_ =	shalt  }
0x7a: {  	_ =	shalt  }
0x7b: {  	_ =	shalt  }
0x7c: {  	_ =	shalt  }
0x7d: {  	_ =	shalt  }
0x7e: {  	_ =	shalt  }
0x7f: {  	_ =	shalt  }
0x80: {  	_ =	shalt  }
0x81: {  	_ =	shalt  }
0x82: {  	_ =	shalt  }
0x83: {  	_ =	shalt  }
0x84: {  	_ =	shalt  }
0x85: {  	_ =	shalt  }
0x86: {  	_ =	shalt  }
0x87: {  	_ =	shalt  }
.Lfunc_end0:
.L_simem_size_0:
called_computation.1_lowered:
.L_overlay_start_0:
0x88: {  	s2 =	sld [smem:$0x3FD9]  }
0x89: {  	s3 =	sld [smem:$0x3FFE];
	_ =	sdelay $0x1  }
0x8a: {  	s1 =	srdreg.scid  }
0x8b: {  	s0 =	sand.u32 $0x1, s1  }
0x8c: {  	s17 =	sshll.u32 s0, $0xA;
	s2 =	sadd.s32 s3, s2  }
0x8d: {  	s2 =	sadd.s32 s2, s17  }
0x8e: {  	[smem:$0x3FC6] =	sst s2  }
0x8f: {  	_ = 	snop  }
0x90: {  	s2 =	sld [smem:$0x3FD0];
	(tm) =	ssettm $0x1  }
0x91: {  	s18 =	sld [smem:$0x3FFB];
	_ =	sdelay $0x3  }
0x92: {  	_ =	strace s18  }
0x93: {  	s3 =	sld [smem:$0x3FFC];
	_ =	sdelay $0x3  }
0x94: {  	_ =	strace s3  }
0x95: {  	s3 =	sld [smem:$0x3FFD];
	_ =	sdelay $0x3  }
0x96: {  	_ =	strace s3  }
0x97: {  	_ =	strace $0x8FFFFFFF  }
0x98: {  	s19 =	sld [smem:$0x3FDB];
	_ =	sdelay $0x1  }
0x99: {  	s4 =	simm.s32 $_scs_section_size  }
0x9a: {  	s5 =	simm.s32 $_size__tile_overlayer_lowered;
	s6 =	simm.s32 $_tile_overlayer_lowered  }
0x9b: {  	s22 =	simm.s32 $0x1BFF;
	s21 =	sshll.u32 s6, $0x1;
	s3 =	sadd.s32 s4, s19  }
0x9c: {  	s7 =	simm.s32 $0x0;
	s20 =	sshll.u32 s5, $0x1;
	s5 =	sadd.s32 s21, s3  }
0x9d: {  	[timem:s7], [sflag:s22] =	dma.local [hbm:s5], s20  }
0x9e: {  	_ =	swait.ge [sflag:s22], s20  }
0x9f: {  	s4 =	ssub.s32 $0x0, s20;
	[sflag:s22] =	ssyncset.done $0x0  }
0xa0: {  	[sflag:s22] =	ssyncadd.s32 s4;
	_ =	sdelay $0x1  }
0xa1: {  	s23 =	simm.s32 $0x1B8B  }
0xa2: {  	_ =	swait.ge [sflag:s23], $0x1  }
0xa3: {  	[sflag:s23] =	ssyncset.done $0x0  }
0xa4: {  	s25 =	simm.s32 $0x1B8E;
	s24 =	sld [smem:$0x3FFE];
	[sflag:s23] =	ssyncadd.s32 $0xFFFFFFFF  }
0xa5: {  	s26 =	simm.s32 $execute0_lowered;
	[smem:$0x3FD2] =	sst s25  }
0xa6: {  	s5 =	sshll.u32 s26, $0x1;
	_ =	strace $0x80000046;
	[dreg:$0x1] =	wrdreg $0xFFFFFFFF  }
0xa7: {  	s28 =	simm.s32 $_size_execute0_lowered;
	s3 =	sadd.s32 s3, s5;
	[dreg:$0x0] =	wrdreg $0x0  }
0xa8: {  	s5 =	sshll.u32 s28, $0x1;
	[dreg:$0x2] =	wrdreg s3  }
0xa9: {  	[dreg:$0x3] =	wrdreg s5  }
0xaa: {  	[dreg:$0x4] =	wrdreg $0xC0  }
0xab: {  	_ =	task [dreg:s7], $0x5FFFF  }
0xac: {  	[dreg:$0x1] =	wrdreg $0xFFFFFFFF  }
0xad: {  	[dreg:$0x0] =	wrdreg $0x60  }
0xae: {  	[dreg:$0x2] =	wrdreg s24  }
0xaf: {  	[dreg:$0x3] =	wrdreg s2  }
0xb0: {  	[dreg:$0x4] =	wrdreg $0x9  }
0xb1: {  	_ =	task.clear_ibuf [dreg:s7], $0x5FFFF;
	_ =	strace $0x90000046  }
0xb2: {  	s29 =	simm.s32 $0x9;
	_ =	strace $0x80000048  }
0xb3: {  	_ =	swait.ge [sflag:s29], $0x1  }
0xb4: {  	[sflag:s29] =	ssyncadd.s32 $0xFFFFFFFF  }
0xb5: {  	_ =	strace $0x90000048  }
0xb6: {  	_ =	sfence  }
0xb7: {  	s30 =	sld [smem:$0x0];
	_ =	sdelay $0x2  }
0xb8: {  	s31 =	sshll.u32 s1, $0xD;
	s1 =	sshrl.u32 s1, $0x2  }
0xb9: {  	s3 =	sand.u32 $0x4000, s31;
	s1 =	sadd.s32 s1, s30  }
0xba: {  	s0 =	sor.u32 s3, s0;
	s1 =	sshll.u32 s1, $0x11  }
0xbb: {  	s0 =	sor.u32 s1, s0  }
0xbc: {  	s0 =	sadd.s32 $0x8F2B, s0  }
0xbd: {  	[sflag:s0] =	ssyncadd.remote.s32 $0x1  }
0xbe: {  	_ =	sfence.sel $0xFFFF  }
0xbf: {  	[dreg:$0x0] =	wrdreg $0xFFFFFFFF;
	(pc) =	sbr.abs _section_cstart, $3  }
0xc0: {  	[dreg:$0x1] =	wrdreg $0xFFFFFFFF  }
0xc1: {  	_ =	task.clear_ibuf [dreg:s7], $0x2FFFF;
	_ =	strace $0x9FFFFFFF  }
0xc2: {  	(tm) =	ssettm $0x7FFFFFFF  }
0xc3: {  	_ =	shalt  }
tec
execute0_lowered:
.L_overlay_start_1:
0x0: {  	(tag) =	ssettag $0x1  }
0x1: {  	s1 =	srdreg.scid;
	s0 =	stileid.u32  }
0x2: {  	s30 =	sand.u32 $0x1, s1;
	s26 =	sshll.u32 s0, $0x1  }
0x3: {  	s15 =	sor.u32 s30, s26  }
0x4: {  	s3 =	smul.u32 $0x500, s15  }
0x5: {  	s4 =	rddreg [dreg:$0x0]  }
0x6: {  	s16 =	rddreg [dreg:$0x1];
	s2 =	simm.s32 $0x0;
	s3 =	sadd.s32 s3, s4  }
0x7: {  	[smem:$0x7FF] =	sst s2;
	s3 =	sadd.s32 $0xA00, s3  }
0x8: {  	_ =	strace $0x80000047;
	[dreg:$0x3] =	wrdreg s3  }
0x9: {  	s3 =	simm.s32 $0x5;
	s5 =	rddreg [dreg:$0x3]  }
0xa: {  	[tilespmem:s2], [sflag:$0x5] =	stream.linear.gather [hbm4b:s5+s2], $0x2800, $0x38;
	[tilespmem:$0x12800] =	vst v63  }
0xb: {  	_ =	swait.ge [sflag:s3], $0x2800  }
0xc: {  	s6 =	simm.s32 $0x2800;
	[sflag:s3] =	ssyncset.done $0x0  }
0xd: {  	s4 =	sadd.s32 $0xF42E00, s4;
	s5 =	simm.s32 $0x400;
	[sflag:s3] =	ssyncadd.s32 $0xFFFFD800  }
0xe: {  	[tilespmem:s6], [sflag:$0x1] =	stream.indirect.gather [hbm4b:s4+s5], $0x20, s2, s5, $0xb8;
	[tilespmem:$0x12800] =	vst v63  }
0xf: {  	s7 =	simm.s32 $0xA800;
	s8 =	simm.s32 $0x1  }
0x10: {  	[tilespmem:s7], [sflag:$0x2] =	stream.indirect.gather [hbm4b:s4+s5], $0x20, s5, s5, $0xb8;
	[tilespmem:$0x12800] =	vst v63  }
0x11: {  	s9 =	smul.u32 $0xA000, s15;
	_ =	swait.ge [sflag:s8], $0x8000  }
0x12: {  	[sflag:s8] =	ssyncset.done $0x0  }
0x13: {  	s10 =	simm.s32 $0x3;
	s9 =	sadd.s32 s16, s9;
	[sflag:s8] =	ssyncadd.s32 $0xFFFF8000  }
0x14: {  	[hbm4b:s9+s2] =	stream.linear.scatter [tilespmem:s6], [sflag:$0x3], $0x8000, $0x38;
	[tilespmem:$0x12800] =	vst v63  }
0x15: {  	_ =	swait.ge [sflag:s10], $0x8000  }
0x16: {  	[sflag:s10] =	ssyncset.done $0x0  }
0x17: {  	s11 =	simm.s32 $0x800;
	s12 =	simm.s32 $0x2;
	[sflag:s10] =	ssyncadd.s32 $0xFFFF8000  }
0x18: {  	[tilespmem:s6], [sflag:$0x1] =	stream.indirect.gather [hbm4b:s4+s5], $0x20, s11, s5, $0xb8;
	[tilespmem:$0x12800] =	vst v63  }
0x19: {  	_ =	swait.ge [sflag:s12], $0x8000  }
0x1a: {  	[sflag:s12] =	ssyncset.done $0x0  }
0x1b: {  	s13 =	simm.s32 $0x4;
	s14 =	sadd.s32 $0x1000, s9;
	[sflag:s12] =	ssyncadd.s32 $0xFFFF8000  }
0x1c: {  	[hbm4b:s14+s2] =	stream.linear.scatter [tilespmem:s7], [sflag:$0x4], $0x8000, $0x38;
	[tilespmem:$0x12800] =	vst v63  }
0x1d: {  	_ =	swait.ge [sflag:s13], $0x8000  }
0x1e: {  	[sflag:s13] =	ssyncset.done $0x0  }
0x1f: {  	s17 =	smul.u32 $0x50000, s15;
	s15 =	simm.s32 $0xC00;
	[sflag:s13] =	ssyncadd.s32 $0xFFFF8000  }
0x20: {  	[tilespmem:s7], [sflag:$0x2] =	stream.indirect.gather [hbm4b:s4+s5], $0x20, s15, s5, $0xb8;
	[tilespmem:$0x12800] =	vst v63  }
0x21: {  	s17 =	sshrl.u32 s17, $0x3;
	_ =	swait.ge [sflag:s8], $0x8000  }
0x22: {  	s31 =	sadd.s32 s16, s17;
	[sflag:s8] =	ssyncset.done $0x0  }
0x23: {  	s16 =	sadd.s32 $0x2000, s31;
	[sflag:s8] =	ssyncadd.s32 $0xFFFF8000  }
0x24: {  	[hbm4b:s16+s2] =	stream.linear.scatter [tilespmem:s6], [sflag:$0x3], $0x8000, $0x38;
	[tilespmem:$0x12800] =	vst v63  }
0x25: {  	_ =	swait.ge [sflag:s10], $0x8000  }
0x26: {  	[sflag:s10] =	ssyncset.done $0x0  }
0x27: {  	s17 =	simm.s32 $0x1000;
	[sflag:s10] =	ssyncadd.s32 $0xFFFF8000  }
0x28: {  	[tilespmem:s6], [sflag:$0x1] =	stream.indirect.gather [hbm4b:s4+s5], $0x20, s17, s5, $0xb8;
	[tilespmem:$0x12800] =	vst v63  }
0x29: {  	_ =	swait.ge [sflag:s12], $0x8000  }
0x2a: {  	[sflag:s12] =	ssyncset.done $0x0  }
0x2b: {  	s18 =	sadd.s32 $0x3000, s31;
	[sflag:s12] =	ssyncadd.s32 $0xFFFF8000  }
0x2c: {  	[hbm4b:s18+s2] =	stream.linear.scatter [tilespmem:s7], [sflag:$0x4], $0x8000, $0x38;
	[tilespmem:$0x12800] =	vst v63  }
0x2d: {  	_ =	swait.ge [sflag:s13], $0x8000  }
0x2e: {  	[sflag:s13] =	ssyncset.done $0x0  }
0x2f: {  	s19 =	simm.s32 $0x1400;
	[sflag:s13] =	ssyncadd.s32 $0xFFFF8000  }
0x30: {  	[tilespmem:s7], [sflag:$0x2] =	stream.indirect.gather [hbm4b:s4+s5], $0x20, s19, s5, $0xb8;
	[tilespmem:$0x12800] =	vst v63  }
0x31: {  	_ =	swait.ge [sflag:s8], $0x8000  }
0x32: {  	[sflag:s8] =	ssyncset.done $0x0  }
0x33: {  	s20 =	sadd.s32 $0x4000, s31;
	[sflag:s8] =	ssyncadd.s32 $0xFFFF8000  }
0x34: {  	[hbm4b:s20+s2] =	stream.linear.scatter [tilespmem:s6], [sflag:$0x3], $0x8000, $0x38;
	[tilespmem:$0x12800] =	vst v63  }
0x35: {  	_ =	swait.ge [sflag:s10], $0x8000  }
0x36: {  	[sflag:s10] =	ssyncset.done $0x0  }
0x37: {  	s21 =	simm.s32 $0x1800;
	[sflag:s10] =	ssyncadd.s32 $0xFFFF8000  }
0x38: {  	[tilespmem:s6], [sflag:$0x1] =	stream.indirect.gather [hbm4b:s4+s5], $0x20, s21, s5, $0xb8;
	[tilespmem:$0x12800] =	vst v63  }
0x39: {  	_ =	swait.ge [sflag:s12], $0x8000  }
0x3a: {  	[sflag:s12] =	ssyncset.done $0x0  }
0x3b: {  	s22 =	sadd.s32 $0x5000, s31;
	[sflag:s12] =	ssyncadd.s32 $0xFFFF8000  }
0x3c: {  	[hbm4b:s22+s2] =	stream.linear.scatter [tilespmem:s7], [sflag:$0x4], $0x8000, $0x38;
	[tilespmem:$0x12800] =	vst v63  }
0x3d: {  	_ =	swait.ge [sflag:s13], $0x8000  }
0x3e: {  	[sflag:s13] =	ssyncset.done $0x0  }
0x3f: {  	s23 =	simm.s32 $0x1C00;
	[sflag:s13] =	ssyncadd.s32 $0xFFFF8000  }
0x40: {  	[tilespmem:s7], [sflag:$0x2] =	stream.indirect.gather [hbm4b:s4+s5], $0x20, s23, s5, $0xb8;
	[tilespmem:$0x12800] =	vst v63  }
0x41: {  	_ =	swait.ge [sflag:s8], $0x8000  }
0x42: {  	[sflag:s8] =	ssyncset.done $0x0  }
0x43: {  	s24 =	sadd.s32 $0x6000, s31;
	[sflag:s8] =	ssyncadd.s32 $0xFFFF8000  }
0x44: {  	[hbm4b:s24+s2] =	stream.linear.scatter [tilespmem:s6], [sflag:$0x3], $0x8000, $0x38;
	[tilespmem:$0x12800] =	vst v63  }
0x45: {  	_ =	swait.ge [sflag:s10], $0x8000  }
0x46: {  	[sflag:s10] =	ssyncset.done $0x0  }
0x47: {  	s25 =	simm.s32 $0x2000;
	[sflag:s10] =	ssyncadd.s32 $0xFFFF8000  }
0x48: {  	[tilespmem:s6], [sflag:$0x1] =	stream.indirect.gather [hbm4b:s4+s5], $0x20, s25, s5, $0xb8;
	[tilespmem:$0x12800] =	vst v63  }
0x49: {  	_ =	swait.ge [sflag:s12], $0x8000  }
0x4a: {  	[sflag:s12] =	ssyncset.done $0x0  }
0x4b: {  	s26 =	sadd.s32 $0x7000, s31;
	[sflag:s12] =	ssyncadd.s32 $0xFFFF8000  }
0x4c: {  	[hbm4b:s26+s2] =	stream.linear.scatter [tilespmem:s7], [sflag:$0x4], $0x8000, $0x38;
	[tilespmem:$0x12800] =	vst v63  }
0x4d: {  	_ =	swait.ge [sflag:s13], $0x8000  }
0x4e: {  	[sflag:s13] =	ssyncset.done $0x0  }
0x4f: {  	s28 =	simm.s32 $0x2400;
	[sflag:s13] =	ssyncadd.s32 $0xFFFF8000  }
0x50: {  	[tilespmem:s7], [sflag:$0x2] =	stream.indirect.gather [hbm4b:s4+s5], $0x20, s28, s5, $0xb8;
	[tilespmem:$0x12800] =	vst v63  }
0x51: {  	_ =	swait.ge [sflag:s8], $0x8000  }
0x52: {  	s1 =	ssub.s32 $0x2, s30;
	s29 =	sadd.s32 $0x8000, s31;
	[sflag:s8] =	ssyncset.done $0x0  }
0x53: {  	s30 =	sadd.s32 $0x9000, s31;
	s31 =	sshrl.u32 s1, $0x1;
	[sflag:s8] =	ssyncadd.s32 $0xFFFF8000  }
0x54: {  	[hbm4b:s29+s2] =	stream.linear.scatter [tilespmem:s6], [sflag:$0x3], $0x8000, $0x38;
	[tilespmem:$0x12800] =	vst v63  }
0x55: {  	s1 =	ssub.s32 s1, s31;
	_ =	swait.ge [sflag:s12], $0x8000  }
0x56: {  	s1 =	smax.u32 s1, $0x1;
	[sflag:s12] =	ssyncset.done $0x0  }
0x57: {  	p0 =	sne.s32 s1, $0x1;
	[sflag:s12] =	ssyncadd.s32 $0xFFFF8000  }
0x58: {  	[hbm4b:s30+s2] =	stream.linear.scatter [tilespmem:s7], [sflag:$0x4], $0x8000, $0x38;
	[tilespmem:$0x12800] =	vst v63  }
.Ltmp0:
0x59: {  	_ =	swait.ge [sflag:s10], $0x8000;
	(pc) =	sbr.rel @!p0 .LBB2_2-.Ltmp0, $4  }
0x5a: {  	[sflag:s10] =	ssyncset.done $0x0  }
0x5b: {  	[sflag:s10] =	ssyncadd.s32 $0xFFFF8000  }
0x5c: {  	_ =	swait.ge [sflag:s13], $0x8000  }
0x5d: {  	s31 =	sadd.s32 $0xFFFFFFFF, s1;
	[sflag:s13] =	ssyncset.done $0x0  }
.LBB2_1:
0x5e: {  	s1 =	rddreg [dreg:$0x3];
	[sflag:s13] =	ssyncadd.s32 $0xFFFF8000  }
0x5f: {  	[tilespmem:s2], [sflag:$0x5] =	stream.linear.gather [hbm4b:s1+s2], $0x2800, $0x38;
	[tilespmem:$0x12800] =	vst v63  }
0x60: {  	_ =	swait.ge [sflag:s3], $0x2800  }
0x61: {  	[sflag:s3] =	ssyncset.done $0x0  }
0x62: {  	[sflag:s3] =	ssyncadd.s32 $0xFFFFD800  }
0x63: {  	[tilespmem:s6], [sflag:$0x1] =	stream.indirect.gather [hbm4b:s4+s5], $0x20, s2, s5, $0xb8;
	[tilespmem:$0x12800] =	vst v63  }
0x64: {  	_ = 	snop  }
0x65: {  	[tilespmem:s7], [sflag:$0x2] =	stream.indirect.gather [hbm4b:s4+s5], $0x20, s5, s5, $0xb8;
	[tilespmem:$0x12800] =	vst v63  }
0x66: {  	_ =	swait.ge [sflag:s8], $0x8000  }
0x67: {  	[sflag:s8] =	ssyncset.done $0x0  }
0x68: {  	[sflag:s8] =	ssyncadd.s32 $0xFFFF8000  }
0x69: {  	[hbm4b:s9+s2] =	stream.linear.scatter [tilespmem:s6], [sflag:$0x3], $0x8000, $0x38;
	[tilespmem:$0x12800] =	vst v63  }
0x6a: {  	_ =	swait.ge [sflag:s10], $0x8000  }
0x6b: {  	[sflag:s10] =	ssyncset.done $0x0  }
0x6c: {  	[sflag:s10] =	ssyncadd.s32 $0xFFFF8000  }
0x6d: {  	[tilespmem:s6], [sflag:$0x1] =	stream.indirect.gather [hbm4b:s4+s5], $0x20, s11, s5, $0xb8;
	[tilespmem:$0x12800] =	vst v63  }
0x6e: {  	_ =	swait.ge [sflag:s12], $0x8000  }
0x6f: {  	[sflag:s12] =	ssyncset.done $0x0  }
0x70: {  	[sflag:s12] =	ssyncadd.s32 $0xFFFF8000  }
0x71: {  	[hbm4b:s14+s2] =	stream.linear.scatter [tilespmem:s7], [sflag:$0x4], $0x8000, $0x38;
	[tilespmem:$0x12800] =	vst v63  }
0x72: {  	_ =	swait.ge [sflag:s13], $0x8000  }
0x73: {  	[sflag:s13] =	ssyncset.done $0x0  }
0x74: {  	[sflag:s13] =	ssyncadd.s32 $0xFFFF8000  }
0x75: {  	[tilespmem:s7], [sflag:$0x2] =	stream.indirect.gather [hbm4b:s4+s5], $0x20, s15, s5, $0xb8;
	[tilespmem:$0x12800] =	vst v63  }
0x76: {  	_ =	swait.ge [sflag:s8], $0x8000  }
0x77: {  	[sflag:s8] =	ssyncset.done $0x0  }
0x78: {  	[sflag:s8] =	ssyncadd.s32 $0xFFFF8000  }
0x79: {  	[hbm4b:s16+s2] =	stream.linear.scatter [tilespmem:s6], [sflag:$0x3], $0x8000, $0x38;
	[tilespmem:$0x12800] =	vst v63  }
0x7a: {  	_ =	swait.ge [sflag:s10], $0x8000  }
0x7b: {  	[sflag:s10] =	ssyncset.done $0x0  }
0x7c: {  	[sflag:s10] =	ssyncadd.s32 $0xFFFF8000  }
0x7d: {  	[tilespmem:s6], [sflag:$0x1] =	stream.indirect.gather [hbm4b:s4+s5], $0x20, s17, s5, $0xb8;
	[tilespmem:$0x12800] =	vst v63  }
0x7e: {  	_ =	swait.ge [sflag:s12], $0x8000  }
0x7f: {  	[sflag:s12] =	ssyncset.done $0x0  }
0x80: {  	[sflag:s12] =	ssyncadd.s32 $0xFFFF8000  }
0x81: {  	[hbm4b:s18+s2] =	stream.linear.scatter [tilespmem:s7], [sflag:$0x4], $0x8000, $0x38;
	[tilespmem:$0x12800] =	vst v63  }
0x82: {  	_ =	swait.ge [sflag:s13], $0x8000  }
0x83: {  	[sflag:s13] =	ssyncset.done $0x0  }
0x84: {  	[sflag:s13] =	ssyncadd.s32 $0xFFFF8000  }
0x85: {  	[tilespmem:s7], [sflag:$0x2] =	stream.indirect.gather [hbm4b:s4+s5], $0x20, s19, s5, $0xb8;
	[tilespmem:$0x12800] =	vst v63  }
0x86: {  	_ =	swait.ge [sflag:s8], $0x8000  }
0x87: {  	[sflag:s8] =	ssyncset.done $0x0  }
0x88: {  	[sflag:s8] =	ssyncadd.s32 $0xFFFF8000  }
0x89: {  	[hbm4b:s20+s2] =	stream.linear.scatter [tilespmem:s6], [sflag:$0x3], $0x8000, $0x38;
	[tilespmem:$0x12800] =	vst v63  }
0x8a: {  	_ =	swait.ge [sflag:s10], $0x8000  }
0x8b: {  	[sflag:s10] =	ssyncset.done $0x0  }
0x8c: {  	[sflag:s10] =	ssyncadd.s32 $0xFFFF8000  }
0x8d: {  	[tilespmem:s6], [sflag:$0x1] =	stream.indirect.gather [hbm4b:s4+s5], $0x20, s21, s5, $0xb8;
	[tilespmem:$0x12800] =	vst v63  }
0x8e: {  	_ =	swait.ge [sflag:s12], $0x8000  }
0x8f: {  	[sflag:s12] =	ssyncset.done $0x0  }
0x90: {  	[sflag:s12] =	ssyncadd.s32 $0xFFFF8000  }
0x91: {  	[hbm4b:s22+s2] =	stream.linear.scatter [tilespmem:s7], [sflag:$0x4], $0x8000, $0x38;
	[tilespmem:$0x12800] =	vst v63  }
0x92: {  	_ =	swait.ge [sflag:s13], $0x8000  }
0x93: {  	[sflag:s13] =	ssyncset.done $0x0  }
0x94: {  	[sflag:s13] =	ssyncadd.s32 $0xFFFF8000  }
0x95: {  	[tilespmem:s7], [sflag:$0x2] =	stream.indirect.gather [hbm4b:s4+s5], $0x20, s23, s5, $0xb8;
	[tilespmem:$0x12800] =	vst v63  }
0x96: {  	_ =	swait.ge [sflag:s8], $0x8000  }
0x97: {  	[sflag:s8] =	ssyncset.done $0x0  }
0x98: {  	[sflag:s8] =	ssyncadd.s32 $0xFFFF8000  }
0x99: {  	[hbm4b:s24+s2] =	stream.linear.scatter [tilespmem:s6], [sflag:$0x3], $0x8000, $0x38;
	[tilespmem:$0x12800] =	vst v63  }
0x9a: {  	_ =	swait.ge [sflag:s10], $0x8000  }
0x9b: {  	[sflag:s10] =	ssyncset.done $0x0  }
0x9c: {  	[sflag:s10] =	ssyncadd.s32 $0xFFFF8000  }
0x9d: {  	[tilespmem:s6], [sflag:$0x1] =	stream.indirect.gather [hbm4b:s4+s5], $0x20, s25, s5, $0xb8;
	[tilespmem:$0x12800] =	vst v63  }
0x9e: {  	_ =	swait.ge [sflag:s12], $0x8000  }
0x9f: {  	[sflag:s12] =	ssyncset.done $0x0  }
0xa0: {  	[sflag:s12] =	ssyncadd.s32 $0xFFFF8000  }
0xa1: {  	[hbm4b:s26+s2] =	stream.linear.scatter [tilespmem:s7], [sflag:$0x4], $0x8000, $0x38;
	[tilespmem:$0x12800] =	vst v63  }
0xa2: {  	_ =	swait.ge [sflag:s13], $0x8000  }
0xa3: {  	[sflag:s13] =	ssyncset.done $0x0  }
0xa4: {  	[sflag:s13] =	ssyncadd.s32 $0xFFFF8000  }
0xa5: {  	[tilespmem:s7], [sflag:$0x2] =	stream.indirect.gather [hbm4b:s4+s5], $0x20, s28, s5, $0xb8;
	[tilespmem:$0x12800] =	vst v63  }
0xa6: {  	_ =	swait.ge [sflag:s8], $0x8000  }
0xa7: {  	[sflag:s8] =	ssyncset.done $0x0  }
0xa8: {  	[sflag:s8] =	ssyncadd.s32 $0xFFFF8000  }
0xa9: {  	[hbm4b:s29+s2] =	stream.linear.scatter [tilespmem:s6], [sflag:$0x3], $0x8000, $0x38;
	[tilespmem:$0x12800] =	vst v63  }
0xaa: {  	_ =	swait.ge [sflag:s12], $0x8000  }
0xab: {  	[sflag:s12] =	ssyncset.done $0x0  }
0xac: {  	p0 =	sne.s32 s31, $0x1;
	[sflag:s12] =	ssyncadd.s32 $0xFFFF8000  }
0xad: {  	[hbm4b:s30+s2] =	stream.linear.scatter [tilespmem:s7], [sflag:$0x4], $0x8000, $0x38;
	[tilespmem:$0x12800] =	vst v63  }
.Ltmp1:
0xae: {  	_ =	swait.ge [sflag:s10], $0x8000;
	(pc) =	sbr.rel @p0 .LBB2_1-.Ltmp1, $4  }
0xaf: {  	[sflag:s10] =	ssyncset.done $0x0  }
0xb0: {  	[sflag:s10] =	ssyncadd.s32 $0xFFFF8000  }
0xb1: {  	_ =	swait.ge [sflag:s13], $0x8000  }
0xb2: {  	s31 =	sadd.s32 $0xFFFFFFFF, s31;
	[sflag:s13] =	ssyncset.done $0x0  }
.LBB2_2:
0xb3: {  	[sflag:s13] =	ssyncadd.s32 $0xFFFF8000  }
0xb4: {  	_ =	sfence.sel $0x180000  }
0xb5: {  	[bflag:$0x0] =	sbarrier.arrive $0xFFFF  }
0xb6: {  	_ =	strace $0x90000047  }
0xb7: {  	[bflag:$0x2] =	sbarrier.arrive $0xFFFF  }
0xb8: {  	p0 =	sne.s32 s0, $0x0;
	s0 =	rddreg [dreg:$0x2]  }
0xb9: {  	s0 =	sadd.s32 @!p0 $0x100000, s0  }
0xba: {  	[sflag:s0] =	ssyncadd.tile.s32 @!p0 $0x1;
	_ =	shalt  }
.Lfunc_end2:
_tile_overlayer_lowered:
.L_overlay_start_2:
0xbb: {  	(tag) =	ssettag $0x2  }
0xbc: {  	s0 =	rddreg [dreg:$0x0];
	s2 =	stileid.u32  }
0xbd: {  	s1 =	rddreg [dreg:$0x1];
	p0 =	sne.s32 s2, $0x0  }
0xbe: {  	s3 =	rddreg [dreg:$0x2];
	[bflag:$0x3] =	sbarrier.arrive $0xFFFF;
	s2 =	simm.s32 @!p0 $0x1C05  }
0xbf: {  	[timem:s3], [sflag:s2] =	dma.local @!p0 [hbm:s0], s1  }
0xc0: {  	s0 =	simm.s32 @!p0 $0x5  }
0xc1: {  	_ =	swait.ge @!p0 [sflag:s0], s1  }
0xc2: {  	s1 =	ssub.s32 @!p0 $0x0, s1;
	[sflag:s0] =	ssyncset.done @!p0 $0x0  }
0xc3: {  	[sflag:s0] =	ssyncadd.s32 @!p0 s1  }
0xc4: {  	[bflag:$0x3] =	sbarrier.arrive $0xFFFF  }
0xc5: {  	_ =	shalt  }

// kernel: sparse-core-data-format-call.cloned.1.call-start
scs
called_computation_lowered:
.L_overlay_start_0:
0x0: {  	s2 =	sld [smem:$0x3FD9]  }
0x1: {  	s3 =	sld [smem:$0x3FFE];
	_ =	sdelay $0x1  }
0x2: {  	s1 =	srdreg.scid  }
0x3: {  	s0 =	sand.u32 $0x1, s1  }
0x4: {  	s18 =	sshll.u32 s0, $0xA;
	s2 =	sadd.s32 s3, s2  }
0x5: {  	s2 =	sadd.s32 s2, s18  }
0x6: {  	[smem:$0x3FC6] =	sst s2  }
0x7: {  	_ = 	snop  }
0x8: {  	s2 =	sld [smem:$0x3FD0];
	(tm) =	ssettm $0x1  }
0x9: {  	s19 =	sld [smem:$0x3FFB];
	_ =	sdelay $0x3  }
0xa: {  	_ =	strace s19  }
0xb: {  	s3 =	sld [smem:$0x3FFC];
	_ =	sdelay $0x3  }
0xc: {  	_ =	strace s3  }
0xd: {  	s3 =	sld [smem:$0x3FFD];
	_ =	sdelay $0x3  }
0xe: {  	_ =	strace s3  }
0xf: {  	_ =	strace $0x8FFFFFFF  }
0x10: {  	s20 =	sld [smem:$0x3FDB];
	_ =	sdelay $0x1  }
0x11: {  	s4 =	simm.s32 $_scs_section_size  }
0x12: {  	s5 =	simm.s32 $_size__tile_overlayer_lowered;
	s6 =	simm.s32 $_tile_overlayer_lowered  }
0x13: {  	s23 =	simm.s32 $0x1BFF;
	s22 =	sshll.u32 s6, $0x1;
	s3 =	sadd.s32 s4, s20  }
0x14: {  	s7 =	simm.s32 $0x0;
	s21 =	sshll.u32 s5, $0x1;
	s5 =	sadd.s32 s22, s3  }
0x15: {  	[timem:s7], [sflag:s23] =	dma.local [hbm:s5], s21  }
0x16: {  	_ =	swait.ge [sflag:s23], s21  }
0x17: {  	s4 =	ssub.s32 $0x0, s21;
	[sflag:s23] =	ssyncset.done $0x0  }
0x18: {  	[sflag:s23] =	ssyncadd.s32 s4;
	_ =	sdelay $0x1  }
0x19: {  	s24 =	simm.s32 $0x1B8B  }
0x1a: {  	_ =	swait.ge [sflag:s24], $0x1  }
0x1b: {  	[sflag:s24] =	ssyncset.done $0x0  }
0x1c: {  	s26 =	simm.s32 $0x1B8E;
	s25 =	sld [smem:$0x3FFE];
	[sflag:s24] =	ssyncadd.s32 $0xFFFFFFFF  }
0x1d: {  	s27 =	simm.s32 $execute0_lowered;
	[smem:$0x3FD2] =	sst s26  }
0x1e: {  	s5 =	sshll.u32 s27, $0x1;
	_ =	strace $0x80000049;
	[dreg:$0x1] =	wrdreg $0xFFFFFFFF  }
0x1f: {  	s28 =	simm.s32 $_size_execute0_lowered;
	s3 =	sadd.s32 s3, s5;
	[dreg:$0x0] =	wrdreg $0x0  }
0x20: {  	s5 =	sshll.u32 s28, $0x1;
	[dreg:$0x2] =	wrdreg s3  }
0x21: {  	[dreg:$0x3] =	wrdreg s5  }
0x22: {  	[dreg:$0x4] =	wrdreg $0xC0  }
0x23: {  	_ =	task [dreg:s7], $0x5FFFF  }
0x24: {  	[dreg:$0x1] =	wrdreg $0xFFFFFFFF  }
0x25: {  	[dreg:$0x0] =	wrdreg $0x60  }
0x26: {  	[dreg:$0x2] =	wrdreg s25  }
0x27: {  	[dreg:$0x3] =	wrdreg s2  }
0x28: {  	[dreg:$0x4] =	wrdreg $0x9  }
0x29: {  	_ =	task.clear_ibuf [dreg:s7], $0x5FFFF;
	_ =	strace $0x90000049  }
0x2a: {  	s29 =	simm.s32 $0x9;
	_ =	strace $0x8000004B  }
0x2b: {  	_ =	swait.ge [sflag:s29], $0x1  }
0x2c: {  	[sflag:s29] =	ssyncadd.s32 $0xFFFFFFFF  }
0x2d: {  	_ =	strace $0x9000004B  }
0x2e: {  	_ =	sfence  }
0x2f: {  	s30 =	sld [smem:$0x0];
	_ =	sdelay $0x2  }
0x30: {  	s31 =	sshll.u32 s1, $0xD;
	s1 =	sshrl.u32 s1, $0x2  }
0x31: {  	s3 =	sand.u32 $0x4000, s31;
	s1 =	sadd.s32 s1, s30  }
0x32: {  	s0 =	sor.u32 s3, s0;
	s1 =	sshll.u32 s1, $0x11  }
0x33: {  	s0 =	sor.u32 s1, s0  }
0x34: {  	s0 =	sadd.s32 $0x8F2B, s0  }
0x35: {  	[sflag:s0] =	ssyncadd.remote.s32 $0x1  }
0x36: {  	_ =	sfence.sel $0xFFFF  }
0x37: {  	[dreg:$0x0] =	wrdreg $0xFFFFFFFF;
	(pc) =	sbr.abs _section_cstart, $3  }
0x38: {  	[dreg:$0x1] =	wrdreg $0xFFFFFFFF  }
0x39: {  	_ =	task.clear_ibuf [dreg:s7], $0x2FFFF;
	_ =	strace $0x9FFFFFFF  }
0x3a: {  	(tm) =	ssettm $0x7FFFFFFF  }
0x3b: {  	_ =	shalt  }
tec
execute0_lowered:
.L_overlay_start_1:
0x0: {  	(tag) =	ssettag $0x1  }
0x1: {  	s0 =	srdreg.scid  }
0x2: {  	s1 =	sshll.u32 s0, $0x4  }
0x3: {  	s0 =	stileid.u32;
	s1 =	sand.u32 $0x10, s1  }
0x4: {  	s1 =	sor.u32 s0, s1  }
0x5: {  	s6 =	rddreg [dreg:$0x0];
	s4 =	simm.s32 $0x1;
	s2 =	sshll.u32 s1, $0x7  }
0x6: {  	s7 =	simm.s32 $0x2;
	s12 =	simm.s32 $0x0;
	s1 =	ssub.s32 $0x4000, s2  }
0x7: {  	s8 =	simm.s32 $0x20000;
	s13 =	simm.s32 $0x0;
	s3 =	sand.u32 $0xF80, s1  }
0x8: {  	s9 =	simm.s32 $0x0;
	s5 =	sshrl.u32 s1, $0xC;
	p0 =	sne.s32 s3, $0x0  }
.Ltmp0:
0x9: {  	s1 =	rddreg [dreg:$0x2];
	s4 =	simm.s32 @!p0 $0x0;
	(pc) =	sbr.rel .LBB1_1-.Ltmp0, $4  }
0xa: {  	s11 =	simm.s32 $0x0;
	s3 =	rddreg [dreg:$0x1];
	s5 =	sadd.s32 s4, s5  }
0xb: {  	_ =	strace $0x8000004A;
	s4 =	simm.s32 $0x1;
	s5 =	smul.u32 $0x14, s5  }
0xc: {  	s6 =	sadd.s32 $0xA00, s6;
	s10 =	smov.u32 s2;
	[sflag:s4] =	ssyncpa.u1 $0x0  }
0xd: {  	p0 =	por $0x0, $0x0;
	[sflag:s7] =	ssyncpa.u1 $0x0;
	s7 =	sor.u32 $0x1, s5  }
.LBB1_4:
0xe: {  	s16 =	sshll.u32 s13, $0x3;
	s17 =	sand.u32 $0x78, s13  }
0xf: {  	s30 =	sand.u32 $0xF800, s13;
	s12 =	sshll.u32 s12, $0x10;
	s16 =	sand.u32 $0x3C00, s16  }
0x10: {  	s31 =	sand.u32 $0x7, s13;
	s16 =	sor.u32 s17, s16;
	s17 =	sadd.s32 s3, s30  }
0x11: {  	s13 =	sshll.u32 s31, $0x12;
	s16 =	sshrl.u32 s16, $0x3;
	s12 =	sadd.s32 s12, s17  }
0x12: {  	[tilespmem:s15+$0x0 ss:$0x81] =	vst.msk $0xffff, v0;
	s13 =	sor.u32 $0x400, s13;
	s12 =	sadd.s32 s16, s12  }
0x13: {  	[hbm4b:s12+s13] =	stream.strided.scatter [tilespmem:s14], [sflag:$0x2], $0x1000, s8, s13, $0x20;
	[tilespmem:$0x4040] =	vst v63  }
.LBB1_5:
0x14: {  	s14 =	sadd.s32 $0x1, s9  }
0x15: {  	s12 =	sadd.s32 $0x1000, s10;
	s16 =	smov.u32 s10;
	p2 =	sgt.s32 s14, $0x13  }
0x16: {  	s16 =	smov.u32 @p2 s12  }
0x17: {  	s14 =	simm.s32 @p2 $0x0;
	p2 =	sgt.s32 s16, $0x3FFF  }
0x18: {  	s16 =	smov.u32 @p2 s2;
	p2 =	sne.s32 s11, s7  }
.Ltmp1:
0x19: {  	p1 =	slt.u32 s11, $0x2;
	(pc) =	sbr.rel @!p2 .LBB1_6-.Ltmp1, $4  }
0x1a: {  	s15 =	simm.s32 @!p1 $0x2  }
0x1b: {  	s13 =	smov.u32 s10;
	p0 =	por !p0, !p0;
	_ =	swait.ge @!p1 [sflag:s15], $0x1000  }
0x1c: {  	s12 =	smov.u32 s9;
	[sflag:s15] =	ssyncset.done @!p1 $0x0;
	s9 =	smov.u32 s14  }
0x1d: {  	s11 =	sadd.s32 $0x1, s11;
	[sflag:s15] =	ssyncadd.s32 @!p1 $0xFFFFF000;
	s10 =	smov.u32 s16  }
.LBB1_1:
0x1e: {  	p1 =	sge.u32 s11, s5  }
0x1f: {  	s14 =	sand.u32 @!p1 $0x1FFFFFF, s9  }
0x20: {  	s15 =	smulhi.u32 @!p1 $0xAAAAAAB, s14;
	_ =	sdelay $0x1  }
0x21: {  	s15 =	smul.u32 @!p1 $0x18, s15  }
0x22: {  	s16 =	sxor.u32 @!p1 $0xFFFFFFFF, s11;
	s17 =	smul.u32 @!p1 $0x180, s10  }
0x23: {  	s31 =	sadd.s32 $0xFFFFFFFF, s11;
	s16 =	sshll.u32 @!p1 s16, $0xC;
	s14 =	ssub.s32 @!p1 s14, s15  }
0x24: {  	s15 =	sand.u32 @!p1 $0x1000, s16;
	s16 =	sadd.s32 @!p1 s6, s17;
	s14 =	sshll.u32 @!p1 s14, $0x4  }
0x25: {  	s17 =	simm.s32 @!p1 $0xC00;
	s14 =	sadd.s32 @!p1 s14, s16;
	s16 =	simm.s32 @!p1 $0x20  }
0x26: {  	[tilespmem:s15], [sflag:$0x1] =	stream.strided.gather @!p1 [hbm4b:s14+s16], $0x1000, s17, s16, $0x38;
	[tilespmem:$0x4040] =	vst v63  }
0x27: {  	p1 =	sge.u32 s31, s5  }
.Ltmp2:
0x28: {  	_ = 	snop;
	(pc) =	sbr.rel @p1 .LBB1_5-.Ltmp2, $1  }
0x29: {  	_ =	sdelay $0x3  }
0x2a: {  	s14 =	simm.s32 $0x1  }
0x2b: {  	_ =	swait.ge [sflag:s4], $0x1000;
	s14 =	simm.s32 @!p0 $0x0  }
0x2c: {  	[sflag:s4] =	ssyncset.done $0x0;
	s15 =	sshll.u32 s14, $0xC  }
0x2d: {  	[sflag:s4] =	ssyncadd.s32 $0xFFFFF000;
	s18 =	sor.u32 $0x10, s15  }
0x2e: {  	s14 =	smul.u32 $0x4080, s14;
	v1 =	vld [tilespmem:s18+$0x0]  }
0x2f: {  	s30 =	sand.u32 $0x1, s11;
	v0 =	vld [tilespmem:s18+$0xFFFFFFF0]  }
0x30: {  	s15 =	smul.u32 $0x4080, s30;
	s14 =	sshrl.u32 s14, $0x2  }
0x31: {  	s16 =	sor.u32 $0x2000, s14  }
0x32: {  	s31 =	sshrl.u32 s15, $0x2;
	s15 =	sadd.s32 $0x0, s16  }
0x33: {  	s17 =	simm.s32 $0x4;
	s18 =	sadd.s32 $0x20, s18;
	s14 =	sor.u32 $0x2000, s31;
	[tilespmem:s15+$0x810 ss:$0x81] =	vst.msk $0xffff, v1  }
.LBB1_3:
0x34: {  	v1 =	vld [tilespmem:s18+$0x0];
	p1 =	sne.s32 s17, $0x1FC;
	[tilespmem:s15+$0x0 ss:$0x81] =	vst.msk $0xffff, v0;
	s15 =	smov.u32 s17;
	s17 =	sadd.s32 $0x4, s17  }
.Ltmp3:
0x35: {  	v0 =	vld [tilespmem:s18+$0xFFFFFFF0];
	(pc) =	sbr.rel @p1 .LBB1_3-.Ltmp3, $4  }
0x36: {  	_ = 	snop  }
0x37: {  	s15 =	sshra.s32 s15, $0x2  }
0x38: {  	s15 =	sadd.s32 s15, s16  }
0x39: {  	s18 =	sadd.s32 $0x20, s18;
	[tilespmem:s15+$0x810 ss:$0x81] =	vst.msk $0xffff, v1  }
.Ltmp4:
0x3a: {  	_ = 	snop;
	(pc) =	sbr.rel .LBB1_4-.Ltmp4, $1  }
0x3b: {  	_ =	sdelay $0x3  }
.LBB1_6:
0x3c: {  	_ =	sfence.sel $0x180000  }
0x3d: {  	s2 =	simm.s32 $0x1;
	[bflag:$0x0] =	sbarrier.arrive $0xFFFF  }
0x3e: {  	s31 =	simm.s32 $0x2;
	[sflag:s2] =	ssyncpa.u1 $0x1  }
0x3f: {  	[sflag:s31] =	ssyncpa.u1 $0x1  }
0x40: {  	p0 =	sne.s32 s0, $0x0;
	_ =	strace $0x9000004A  }
0x41: {  	s0 =	sadd.s32 @!p0 $0x100000, s1;
	[bflag:$0x2] =	sbarrier.arrive $0xFFFF  }
0x42: {  	[sflag:s0] =	ssyncadd.tile.s32 @!p0 $0x1;
	_ =	shalt  }
.Lfunc_end1:
_tile_overlayer_lowered:
.L_overlay_start_2:
0x43: {  	(tag) =	ssettag $0x2  }
0x44: {  	s0 =	rddreg [dreg:$0x0];
	s2 =	stileid.u32  }
0x45: {  	s1 =	rddreg [dreg:$0x1];
	p0 =	sne.s32 s2, $0x0  }
0x46: {  	s3 =	rddreg [dreg:$0x2];
	[bflag:$0x3] =	sbarrier.arrive $0xFFFF;
	s2 =	simm.s32 @!p0 $0x1C01  }
0x47: {  	[timem:s3], [sflag:s2] =	dma.local @!p0 [hbm:s0], s1  }
0x48: {  	s0 =	simm.s32 @!p0 $0x1  }
0x49: {  	_ =	swait.ge @!p0 [sflag:s0], s1  }
0x4a: {  	s1 =	ssub.s32 @!p0 $0x0, s1;
	[sflag:s0] =	ssyncset.done @!p0 $0x0  }
0x4b: {  	[sflag:s0] =	ssyncadd.s32 @!p0 s1  }
0x4c: {  	[bflag:$0x3] =	sbarrier.arrive $0xFFFF  }
0x4d: {  	_ =	shalt  }

</sc_bundles>
